<compile_context>
chip_gen: v7x
topology: tpu7x:2x2x1
jax: 0.10.2.dev20260603
libtpu: 0.0.44.dev20260713+nightly
codegen_flags: <defaults>
</compile_context>

<pallas_src>
import functools

import jax
import jax.numpy as jnp
from jax import lax
from jax.experimental import pallas as pl
from jax.experimental.pallas import tpu as pltpu
from jax.experimental.pallas import tpu_sc as plsc

_D = 64
_L = 20
_LP = 24
_ALPHA = 0.2
_NB = 256
_CH = 512
_SENT = 0x7FFFFFFF


def _gather_rows(table, idx, n_sessions):
    info = plsc.get_sparse_core_info()
    nc, ns = info.num_cores, info.num_subcores
    nw = nc * ns
    n = idx.shape[0]
    v = table.shape[0]
    blocks = v // 128
    bpw = blocks // nw
    n_extra = blocks - bpw * nw + 1
    cpw = (bpw * 128) // _CH
    nvmax = n // 16
    mesh = plsc.VectorSubcoreMesh(core_axis_name="c", subcore_axis_name="s")
    tableT = table.T

    @functools.partial(
        pl.kernel,
        mesh=mesh,
        out_type=jax.ShapeDtypeStruct((n_sessions * _LP, 2 * _D), jnp.float32),
        scratch_types=[
            pltpu.VMEM((n,), jnp.int32),
            pltpu.VMEM((n + 16,), jnp.int32),
            pltpu.VMEM((n + 16,), jnp.int32),
            pltpu.VMEM((2 * _D, _CH), jnp.float32),
            pltpu.VMEM((16, 2 * _D), jnp.float32),
            pltpu.VMEM((16,), jnp.int32),
            pltpu.SemaphoreType.DMA,
            pltpu.SemaphoreType.DMA,
            pltpu.SemaphoreType.DMA,
        ],
        compiler_params=pltpu.CompilerParams(needs_layout_passes=False),
    )
    def k(idx_hbm, tT_hbm, out_hbm, idx_v, wl_r, wl_op, cbuf, rstage, pstage,
          semA, semB, semS):
        wid = lax.axis_index("s") * nc + lax.axis_index("c")
        i16 = lax.iota(jnp.int32, 16)
        dummy = (jnp.int32(n_sessions - 16) + i16) * _LP + _L

        lo = wid * (bpw * 128)
        hi = lo + bpw * 128
        elo = jnp.where(wid < n_extra, (blocks - n_extra + 1 + wid) * 128,
                        jnp.int32(0))
        ehi = jnp.where(wid < n_extra, elo + 128, jnp.int32(0))

        def fetch(c, par, sem):
            lane0 = pl.multiple_of(lo + lax.rem(c, cpw) * _CH, 128)
            pltpu.async_copy(
                tT_hbm.at[:, pl.ds(lane0, _CH)],
                cbuf.at[pl.ds(par * _D, _D), :],
                sem,
            )

        fetch(0, 0, semA)
        fetch(1, 1, semB)
        pltpu.sync_copy(idx_hbm, idx_v)
        pstage[pl.ds(0, 16)] = dummy

        def scan(i, cnt):
            rv = idx_v[pl.ds(16 * i, 16)]
            posv = 16 * i + i16
            sess = posv // _L
            opv = sess * _LP + (posv - sess * _L)
            m = ((rv >= lo) & (rv < hi)) | ((rv >= elo) & (rv < ehi))
            plsc.store_compressed(wl_r.at[pl.ds(cnt, 16)], rv, mask=m)
            plsc.store_compressed(wl_op.at[pl.ds(cnt, 16)], opv, mask=m)
            return cnt + plsc.all_reduce_population_count(m)[0]

        cnt = lax.fori_loop(0, nvmax, scan, jnp.int32(0))
        wl_r[pl.ds(cnt, 16)] = jnp.full((16,), _SENT, jnp.int32)
        nv = (cnt + 15) // 16

        def flush():
            pltpu.async_copy(rstage, out_hbm.at[pstage], semS).wait()
            pstage[pl.ds(0, 16)] = dummy

        def process_range(c_lo, span, pbase, bc):
            def per_vreg(vi, bc_):
                rv = wl_r[pl.ds(16 * vi, 16)]
                m0 = (rv >= c_lo) & (rv < c_lo + span)

                def more(st):
                    m_, b_ = st
                    return plsc.all_reduce_population_count(m_)[0] > 0

                def take(st):
                    m_, b_ = st
                    lane = plsc.all_reduce_ffs(m_)[0]
                    ii = 16 * vi + lane
                    r = plsc.load_gather(wl_r, [jnp.broadcast_to(ii, (16,))])[0]
                    op = plsc.load_gather(wl_op, [jnp.broadcast_to(ii, (16,))])[0]
                    col = jnp.broadcast_to(r - c_lo, (16,))
                    slot = lax.rem(b_, 16)
                    sl16 = jnp.broadcast_to(slot, (16,))
                    for g in range(_D // 16):
                        vals = plsc.load_gather(cbuf, [pbase + g * 16 + i16, col])
                        plsc.store_scatter(rstage, [sl16, g * 16 + i16], vals)
                    plsc.store_scatter(pstage, [sl16],
                                       jnp.broadcast_to(op, (16,)),
                                       mask=i16 == 0)
                    b_ = b_ + 1

                    @pl.when(lax.rem(b_, 16) == 0)
                    def _():
                        flush()

                    return m_ & (i16 != lane), b_

                _, bc_ = lax.while_loop(more, take, (m0, bc_))
                return bc_

            return lax.fori_loop(0, nv, per_vreg, bc)

        def drain(sem):
            pltpu.make_async_copy(
                tT_hbm.at[:, pl.ds(0, _CH)],
                cbuf.at[pl.ds(0, _D), :],
                sem,
            ).wait()

        def dbl(t, bc):
            c0 = 2 * t
            drain(semA)
            bc = process_range(lo + c0 * _CH, _CH, 0, bc)
            fetch(c0 + 2, 0, semA)
            drain(semB)
            bc = process_range(lo + (c0 + 1) * _CH, _CH, _D, bc)
            fetch(c0 + 3, 1, semB)
            return bc

        bc = lax.fori_loop(0, cpw // 2, dbl, jnp.int32(0))
        drain(semA)
        drain(semB)

        if cpw % 2 == 1:
            pltpu.sync_copy(
                tT_hbm.at[:, pl.ds(pl.multiple_of(lo + (cpw - 1) * _CH, 128),
                                   _CH)],
                cbuf.at[pl.ds(0, _D), :],
            )
            bc = process_range(lo + (cpw - 1) * _CH, _CH, 0, bc)

        def extra(e, bc_):
            lane0 = pl.multiple_of(elo, 128)
            pltpu.sync_copy(
                tT_hbm.at[:, pl.ds(lane0, 128)],
                cbuf.at[pl.ds(0, _D), pl.ds(0, 128)],
            )
            return process_range(elo, 128, 0, bc_)

        bc = lax.fori_loop(0, jnp.where(wid < n_extra, 1, 0), extra, bc)
        flush()

    return k(idx, tableT)


def _attn_block(blk_ref, adj_ref, aa_ref, o_ref):
    h = blk_ref[:, 0:_L, 0:_D]
    adj = adj_ref[...]
    aa = aa_ref[...]
    dn = (((2,), (2,)), ((0,), (0,)))
    es = []
    for kk in range(4):
        q = h * aa[kk][None, None, :]
        e = lax.dot_general(q, h, dn, preferred_element_type=jnp.float32)
        es.append(jnp.where(e > 0, e, _ALPHA * e))
    neg = jnp.float32(-9e15)
    alpha = jnp.where(adj == 1, es[0], neg)
    alpha = jnp.where(adj == 2, es[1], alpha)
    alpha = jnp.where(adj == 3, es[2], alpha)
    alpha = jnp.where(adj == 4, es[3], alpha)
    m = jnp.max(alpha, axis=-1, keepdims=True)
    ex = jnp.exp(alpha - m)
    p = ex / jnp.sum(ex, axis=-1, keepdims=True)
    dn2 = (((2,), (1,)), ((0,), (0,)))
    o_ref[...] = lax.dot_general(p, h, dn2, preferred_element_type=jnp.float32)


def kernel(inputs, adj, mask_item, item, embedding, a_0, a_1, a_2, a_3, bias):
    b, l = inputs.shape
    hp_flat = _gather_rows(embedding, inputs.reshape(-1), b)
    hp = hp_flat.reshape(b, _LP, 2 * _D)
    aa = jnp.concatenate([a_0, a_1, a_2, a_3], axis=1).T
    out = pl.pallas_call(
        _attn_block,
        grid=(b // _NB,),
        in_specs=[
            pl.BlockSpec((_NB, _LP, 2 * _D), lambda i: (i, 0, 0)),
            pl.BlockSpec((_NB, l, l), lambda i: (i, 0, 0)),
            pl.BlockSpec((4, _D), lambda i: (0, 0)),
        ],
        out_specs=pl.BlockSpec((_NB, l, _D), lambda i: (i, 0, 0)),
        out_shape=jax.ShapeDtypeStruct((b, l, _D), jnp.float32),
    )(hp, adj, aa)
    return (out, jnp.float32(0.0))

# --- scband reference (transcript-rebuilt; emitter-appended) ---
"""Pipeline reference for scband-combine-graph-1537598292635 (READ-ONLY COPY).

The authoritative reference and input builder live on the scoring server;
editing this copy changes nothing except your own understanding.
"""

import jax, jax.numpy as jnp
import numpy as np

NUM_NODE = 1000000
DIM = 64
B = 1024
L = 20
ALPHA = 0.2


def setup_inputs(seed: int = 0) -> dict:
    key = jax.random.key(seed)
    ks = jax.random.split(key, 10)
    inputs = jax.random.randint(ks[0], (B, L), 0, NUM_NODE, dtype=jnp.int32).astype(jnp.int64) if False else jax.random.randint(ks[0], (B, L), 0, NUM_NODE)
    adj = jax.random.randint(ks[1], (B, L, L), 0, 5)
    mask_item = jax.random.randint(ks[2], (B, L), 0, 2)
    item = jax.random.randint(ks[3], (B, L), 0, NUM_NODE)
    stdv = 1.0 / np.sqrt(DIM)
    embedding = jax.random.uniform(ks[4], (NUM_NODE, DIM), minval=-stdv, maxval=stdv, dtype=jnp.float32)
    a_0 = jax.random.uniform(ks[5], (DIM, 1), minval=-stdv, maxval=stdv, dtype=jnp.float32)
    a_1 = jax.random.uniform(ks[6], (DIM, 1), minval=-stdv, maxval=stdv, dtype=jnp.float32)
    a_2 = jax.random.uniform(ks[7], (DIM, 1), minval=-stdv, maxval=stdv, dtype=jnp.float32)
    a_3 = jax.random.uniform(ks[8], (DIM, 1), minval=-stdv, maxval=stdv, dtype=jnp.float32)
    bias = jax.random.uniform(ks[9], (DIM,), minval=-stdv, maxval=stdv, dtype=jnp.float32)
    return {"inputs": inputs, "adj": adj, "mask_item": mask_item, "item": item,
            "embedding": embedding, "a_0": a_0, "a_1": a_1, "a_2": a_2, "a_3": a_3, "bias": bias}


def _local_agg(h, adj, a_0, a_1, a_2, a_3):
    # a_input[b,i,j,:] = h[b,i,:] * h[b,j,:]  (GCE-GNN LocalAggregator)
    a_input = h[:, :, None, :] * h[:, None, :, :]

    def e(a):
        return jax.nn.leaky_relu(jnp.squeeze(jnp.matmul(a_input, a), -1), ALPHA)

    e_0, e_1, e_2, e_3 = e(a_0), e(a_1), e(a_2), e(a_3)
    neg = jnp.full_like(e_0, -9e15)
    alpha = jnp.where(adj == 1, e_0, neg)
    alpha = jnp.where(adj == 2, e_1, alpha)
    alpha = jnp.where(adj == 3, e_2, alpha)
    alpha = jnp.where(adj == 4, e_3, alpha)
    alpha = jax.nn.softmax(alpha, axis=-1)
    return jnp.matmul(alpha, h)


def reference(inputs, adj, mask_item, item, embedding, a_0, a_1, a_2, a_3, bias):
    # h = self.embedding(inputs)
    h = jnp.take(embedding, inputs, axis=0)
    # h_local = self.local_agg(h, adj, mask_item)
    h_local = _local_agg(h, adj, a_0, a_1, a_2, a_3)
    # F.dropout(..., training=False) -> identity in eval mode
    output = h_local
    s_global = jnp.float32(0.0)
    return (output, s_global)

if __name__ == "__main__":
    import jax
    _d = setup_inputs()
    print(jax.jit(kernel)(*tuple(_d.values())))

</pallas_src>

<mosaic_0001>
#map = affine_map<(d0, d1) -> (0)>
#map1 = affine_map<(d0, d1) -> (0, 0)>
module attributes {stable_mosaic.version = 14 : i64} {
  func.func @k(%arg0: i32, %arg1: i32, %arg2: memref<20480xi32, #tpu.memory_space<hbm>>, %arg3: memref<64x1000000xf32, #tpu.memory_space<hbm>>, %arg4: memref<24576x128xf32, #tpu.memory_space<hbm>>, %arg5: memref<20480xi32, #tpu.memory_space<vmem>>, %arg6: memref<20496xi32, #tpu.memory_space<vmem>>, %arg7: memref<20496xi32, #tpu.memory_space<vmem>>, %arg8: memref<128x512xf32, #tpu.memory_space<vmem>>, %arg9: memref<16x128xf32, #tpu.memory_space<vmem>>, %arg10: memref<16xi32, #tpu.memory_space<vmem>>, %arg11: memref<!tpu.dma_semaphore, #tpu.memory_space<semaphore_mem>>, %arg12: memref<!tpu.dma_semaphore, #tpu.memory_space<semaphore_mem>>, %arg13: memref<!tpu.dma_semaphore, #tpu.memory_space<semaphore_mem>>) attributes {dimension_semantics = [#tpu.dimension_semantics<core_parallel>, #tpu.dimension_semantics<subcore_parallel>], iteration_bounds = array<i64: 2, 16>, scalar_prefetch = 0 : i64, scratch_operands = 9 : i64, tpu.core_type = #tpu.core_type<sc_vector_subcore>, window_params = [{transform_indices = #map}, {transform_indices = #map1}, {transform_indices = #map1}]} {
    %mul3A = arith.constant 2 : i32
    %mul3A_0 = arith.muli %arg1, %mul3A : i32
    %add3A = arith.addi %mul3A_0, %arg0 : i32
    %iota3A = tpu.iota {dimensions = array<i32: 0>} : vector<16xi32>
    %add3A_1 = arith.constant 1008 : i32
    %add3A_2 = vector.broadcast %add3A_1 : i32 to vector<16xi32>
    %add3A_3 = arith.addi %add3A_2, %iota3A : vector<16xi32>
    %mul3A_4 = arith.constant 24 : i32
    %mul3A_5 = vector.broadcast %mul3A_4 : i32 to vector<16xi32>
    %mul3A_6 = arith.muli %add3A_3, %mul3A_5 : vector<16xi32>
    %add3A_7 = arith.constant 20 : i32
    %add3A_8 = vector.broadcast %add3A_7 : i32 to vector<16xi32>
    %add3A_9 = arith.addi %mul3A_6, %add3A_8 : vector<16xi32>
    %mul3A_10 = arith.constant 31232 : i32
    %mul3A_11 = arith.muli %add3A, %mul3A_10 : i32
    %add3A_12 = arith.constant 31232 : i32
    %add3A_13 = arith.addi %mul3A_11, %add3A_12 : i32
    %lt3A = arith.constant 5 : i32
    %lt3A_14 = arith.cmpi slt, %add3A, %lt3A : i32
    %add3A_15 = arith.constant 7808 : i32
    %add3A_16 = arith.addi %add3A_15, %add3A : i32
    %mul3A_17 = arith.constant 128 : i32
    %mul3A_18 = arith.muli %add3A_16, %mul3A_17 : i32
    %jit3A = arith.constant 0 : i32
    %select_n3A = arith.select %lt3A_14, %mul3A_18, %jit3A : i32
    %lt3A_19 = arith.constant 5 : i32
    %lt3A_20 = arith.cmpi slt, %add3A, %lt3A_19 : i32
    %add3A_21 = arith.constant 128 : i32
    %add3A_22 = arith.addi %select_n3A, %add3A_21 : i32
    %jit3A_23 = arith.constant 0 : i32
    %select_n3A_24 = arith.select %lt3A_20, %add3A_22, %jit3A_23 : i32
    %rem3A = arith.constant 0 : i32
    %rem3A_25 = arith.constant 61 : i32
    %rem3A_26 = arith.remsi %rem3A, %rem3A_25 : i32
    %mul3A_27 = arith.constant 512 : i32
    %mul3A_28 = arith.muli %rem3A_26, %mul3A_27 : i32
    %add3A_29 = arith.addi %mul3A_11, %mul3A_28 : i32
    %multiple_of3A = tpu.assume_multiple %add3A_29, 128 : i32
    %dma_start3A = arith.constant 0 : i32
    %dma_start3A_30 = arith.constant 0 : i32
    %dma_start3A_31 = tpu.memref_slice %arg8[%dma_start3A, %dma_start3A_30] : memref<128x512xf32, #tpu.memory_space<vmem>> -> memref<64x512xf32, #tpu.memory_space<vmem>>
    %dma_start3A_32 = arith.constant 0 : i32
    %dma_start3A_33 = tpu.memref_slice %arg3[%dma_start3A_32, %multiple_of3A] : memref<64x1000000xf32, #tpu.memory_space<hbm>> -> memref<64x512xf32, #tpu.memory_space<hbm>>
    %dma_start3A_34 = arith.constant 0 : i32
    %dma_start3A_35 = arith.constant 0 : i32
    %dma_start3A_36 = tpu.memref_slice %arg8[%dma_start3A_34, %dma_start3A_35] : memref<128x512xf32, #tpu.memory_space<vmem>> -> memref<64x512xf32, #tpu.memory_space<vmem>>
    %dma_start3A_37 = arith.constant 0 : i32
    %dma_start3A_38 = tpu.memref_slice %arg3[%dma_start3A_37, %multiple_of3A] : memref<64x1000000xf32, #tpu.memory_space<hbm>> -> memref<64x512xf32, #tpu.memory_space<hbm>>
    tpu.enqueue_dma source(%dma_start3A_38 : memref<64x512xf32, #tpu.memory_space<hbm>>) target(%dma_start3A_36 : memref<64x512xf32, #tpu.memory_space<vmem>>) target_semaphore(%arg11 : memref<!tpu.dma_semaphore, #tpu.memory_space<semaphore_mem>>)
    %rem3A_39 = arith.constant 1 : i32
    %rem3A_40 = arith.constant 61 : i32
    %rem3A_41 = arith.remsi %rem3A_39, %rem3A_40 : i32
    %mul3A_42 = arith.constant 512 : i32
    %mul3A_43 = arith.muli %rem3A_41, %mul3A_42 : i32
    %add3A_44 = arith.addi %mul3A_11, %mul3A_43 : i32
    %multiple_of3A_45 = tpu.assume_multiple %add3A_44, 128 : i32
    %dma_start3A_46 = arith.constant 64 : i32
    %dma_start3A_47 = arith.constant 0 : i32
    %dma_start3A_48 = tpu.memref_slice %arg8[%dma_start3A_46, %dma_start3A_47] : memref<128x512xf32, #tpu.memory_space<vmem>> -> memref<64x512xf32, #tpu.memory_space<vmem>>
    %dma_start3A_49 = arith.constant 0 : i32
    %dma_start3A_50 = tpu.memref_slice %arg3[%dma_start3A_49, %multiple_of3A_45] : memref<64x1000000xf32, #tpu.memory_space<hbm>> -> memref<64x512xf32, #tpu.memory_space<hbm>>
    %dma_start3A_51 = arith.constant 64 : i32
    %dma_start3A_52 = arith.constant 0 : i32
    %dma_start3A_53 = tpu.memref_slice %arg8[%dma_start3A_51, %dma_start3A_52] : memref<128x512xf32, #tpu.memory_space<vmem>> -> memref<64x512xf32, #tpu.memory_space<vmem>>
    %dma_start3A_54 = arith.constant 0 : i32
    %dma_start3A_55 = tpu.memref_slice %arg3[%dma_start3A_54, %multiple_of3A_45] : memref<64x1000000xf32, #tpu.memory_space<hbm>> -> memref<64x512xf32, #tpu.memory_space<hbm>>
    tpu.enqueue_dma source(%dma_start3A_55 : memref<64x512xf32, #tpu.memory_space<hbm>>) target(%dma_start3A_53 : memref<64x512xf32, #tpu.memory_space<vmem>>) target_semaphore(%arg12 : memref<!tpu.dma_semaphore, #tpu.memory_space<semaphore_mem>>)
    "tpu.region"() ({
      %run_scoped3A = tpu.sem_alloc : memref<!tpu.dma_semaphore, #tpu.memory_space<semaphore_mem>>
      tpu.enqueue_dma source(%arg2 : memref<20480xi32, #tpu.memory_space<hbm>>) target(%arg5 : memref<20480xi32, #tpu.memory_space<vmem>>) target_semaphore(%run_scoped3A : memref<!tpu.dma_semaphore, #tpu.memory_space<semaphore_mem>>)
      tpu.wait_dma2 semaphore(%run_scoped3A : memref<!tpu.dma_semaphore, #tpu.memory_space<semaphore_mem>>) src(%arg2 : memref<20480xi32, #tpu.memory_space<hbm>>) dst(%arg5 : memref<20480xi32, #tpu.memory_space<vmem>>)
      tpu.yield
    }) : () -> ()
    %swap3A = arith.constant 0 : index
    %swap3A_56 = tpu.vector_load %arg10[%swap3A] {strides = array<i32>} : memref<16xi32, #tpu.memory_space<vmem>>, vector<16xi32>,
    tpu.vector_store %arg10[%swap3A], %add3A_9 {strides = array<i32>} : memref<16xi32, #tpu.memory_space<vmem>>, vector<16xi32>,
    %scan3A = arith.constant 0 : i32
    %scan3A_57 = arith.constant 0 : i32
    %scan3A_58 = arith.constant 1280 : i32
    %scan3A_59 = arith.addi %scan3A_57, %scan3A_58 : i32
    %scan3A_60 = arith.constant 1 : i32
    %scan3A_61 = scf.for %scan3A_156 = %scan3A_57 to %scan3A_59 step %scan3A_60 iter_args(%scan3A_157 = %scan3A) -> (i32)  : i32 {
      %mul3A_158 = arith.constant 16 : i32
      %mul3A_159 = arith.muli %mul3A_158, %scan3A_156 : i32
      %get3A = arith.index_cast %mul3A_159 : i32 to index
      %get3A_160 = tpu.vector_load %arg5[%get3A] {strides = array<i32>} : memref<20480xi32, #tpu.memory_space<vmem>>, vector<16xi32>,
      %mul3A_161 = arith.constant 16 : i32
      %mul3A_162 = arith.muli %mul3A_161, %scan3A_156 : i32
      %add3A_163 = vector.broadcast %mul3A_162 : i32 to vector<16xi32>
      %add3A_164 = arith.addi %add3A_163, %iota3A : vector<16xi32>
      %jit3A_165 = arith.constant 20 : i32
      %div3A_166 = vector.broadcast %jit3A_165 : i32 to vector<16xi32>
      %div3A_167 = arith.divsi %add3A_164, %div3A_166 : vector<16xi32>
      %sign3A_168 = arith.constant 0 : i32
      %sign3A_169 = vector.broadcast %sign3A_168 : i32 to vector<16xi32>
      %sign3A_170 = arith.cmpi sgt, %add3A_164, %sign3A_169 : vector<16xi32>
      %sign3A_171 = arith.extui %sign3A_170 : vector<16xi1> to vector<16xi32>
      %sign3A_172 = arith.constant 0 : i32
      %sign3A_173 = vector.broadcast %sign3A_172 : i32 to vector<16xi32>
      %sign3A_174 = arith.cmpi slt, %add3A_164, %sign3A_173 : vector<16xi32>
      %sign3A_175 = arith.extui %sign3A_174 : vector<16xi1> to vector<16xi32>
      %sign3A_176 = arith.subi %sign3A_171, %sign3A_175 : vector<16xi32>
      %sign3A_177 = arith.constant 0 : i32
      %sign3A_178 = arith.cmpi sgt, %jit3A_165, %sign3A_177 : i32
      %sign3A_179 = arith.extui %sign3A_178 : i1 to i32
      %sign3A_180 = arith.constant 0 : i32
      %sign3A_181 = arith.cmpi slt, %jit3A_165, %sign3A_180 : i32
      %sign3A_182 = arith.extui %sign3A_181 : i1 to i32
      %sign3A_183 = arith.subi %sign3A_179, %sign3A_182 : i32
      %ne3A_184 = vector.broadcast %sign3A_183 : i32 to vector<16xi32>
      %ne3A_185 = arith.cmpi ne, %sign3A_176, %ne3A_184 : vector<16xi32>
      %rem3A_186 = vector.broadcast %jit3A_165 : i32 to vector<16xi32>
      %rem3A_187 = arith.remsi %add3A_164, %rem3A_186 : vector<16xi32>
      %ne3A_188 = arith.constant 0 : i32
      %ne3A_189 = vector.broadcast %ne3A_188 : i32 to vector<16xi32>
      %ne3A_190 = arith.cmpi ne, %rem3A_187, %ne3A_189 : vector<16xi32>
      %and3A_191 = arith.andi %ne3A_185, %ne3A_190 : vector<16xi1>
      %sub3A_192 = arith.constant 1 : i32
      %sub3A_193 = vector.broadcast %sub3A_192 : i32 to vector<16xi32>
      %sub3A_194 = arith.subi %div3A_167, %sub3A_193 : vector<16xi32>
      %select_n3A_195 = arith.select %and3A_191, %sub3A_194, %div3A_167 : vector<16xi1>, vector<16xi32>
      %mul3A_196 = arith.constant 24 : i32
      %mul3A_197 = vector.broadcast %mul3A_196 : i32 to vector<16xi32>
      %mul3A_198 = arith.muli %select_n3A_195, %mul3A_197 : vector<16xi32>
      %mul3A_199 = arith.constant 20 : i32
      %mul3A_200 = vector.broadcast %mul3A_199 : i32 to vector<16xi32>
      %mul3A_201 = arith.muli %select_n3A_195, %mul3A_200 : vector<16xi32>
      %sub3A_202 = arith.subi %add3A_164, %mul3A_201 : vector<16xi32>
      %add3A_203 = arith.addi %mul3A_198, %sub3A_202 : vector<16xi32>
      %ge3A = vector.broadcast %mul3A_11 : i32 to vector<16xi32>
      %ge3A_204 = arith.cmpi sge, %get3A_160, %ge3A : vector<16xi32>
      %lt3A_205 = vector.broadcast %add3A_13 : i32 to vector<16xi32>
      %lt3A_206 = arith.cmpi slt, %get3A_160, %lt3A_205 : vector<16xi32>
      %and3A_207 = arith.andi %ge3A_204, %lt3A_206 : vector<16xi1>
      %ge3A_208 = vector.broadcast %select_n3A : i32 to vector<16xi32>
      %ge3A_209 = arith.cmpi sge, %get3A_160, %ge3A_208 : vector<16xi32>
      %lt3A_210 = vector.broadcast %select_n3A_24 : i32 to vector<16xi32>
      %lt3A_211 = arith.cmpi slt, %get3A_160, %lt3A_210 : vector<16xi32>
      %and3A_212 = arith.andi %ge3A_209, %lt3A_211 : vector<16xi1>
      %or3A = arith.ori %and3A_207, %and3A_212 : vector<16xi1>
      %swap3A_213 = arith.index_cast %scan3A_157 : i32 to index
      %swap3A_214 = tpu.vector_load %arg6[%swap3A_213] masked %or3A {strides = array<i32>} : memref<20496xi32, #tpu.memory_space<vmem>>, vector<16xi32>, vector<16xi1>
      tpu.vector_store %arg6[%swap3A_213], %get3A_160 masked %or3A {strides = array<i32>} : memref<20496xi32, #tpu.memory_space<vmem>>, vector<16xi32>, vector<16xi1>
      %swap3A_215 = arith.index_cast %scan3A_157 : i32 to index
      %swap3A_216 = tpu.vector_load %arg7[%swap3A_215] masked %or3A {strides = array<i32>} : memref<20496xi32, #tpu.memory_space<vmem>>, vector<16xi32>, vector<16xi1>
      tpu.vector_store %arg7[%swap3A_215], %add3A_203 masked %or3A {strides = array<i32>} : memref<20496xi32, #tpu.memory_space<vmem>>, vector<16xi32>, vector<16xi1>
      %all_reduce_population_count3A = tpu.all_reduce %or3A {dim = 0 : i64, kind = #tpu.reduction_kind<sum>} : vector<16xi1> -> vector<16xi32>
      %slice3A = vector.extract_strided_slice %all_reduce_population_count3A {offsets = [0], sizes = [1], strides = [1]} : vector<16xi32> to vector<1xi32>
      %squeeze3A = vector.extract %slice3A[0] : i32 from vector<1xi32>
      %add3A_217 = arith.addi %scan3A_157, %squeeze3A : i32
      scf.yield %add3A_217 : i32
    }
    %scan3A_62 = arith.constant 1280 : i32
    %broadcast_in_dim3A = arith.constant 2147483647 : i32
    %broadcast_in_dim3A_63 = vector.broadcast %broadcast_in_dim3A : i32 to vector<16xi32>
    %swap3A_64 = arith.index_cast %scan3A_61 : i32 to index
    %swap3A_65 = tpu.vector_load %arg6[%swap3A_64] {strides = array<i32>} : memref<20496xi32, #tpu.memory_space<vmem>>, vector<16xi32>,
    tpu.vector_store %arg6[%swap3A_64], %broadcast_in_dim3A_63 {strides = array<i32>} : memref<20496xi32, #tpu.memory_space<vmem>>, vector<16xi32>,
    %add3A_66 = arith.constant 15 : i32
    %add3A_67 = arith.addi %scan3A_61, %add3A_66 : i32
    %jit3A_68 = arith.constant 16 : i32
    %div3A = arith.divsi %add3A_67, %jit3A_68 : i32
    %sign3A = arith.constant 0 : i32
    %sign3A_69 = arith.cmpi sgt, %add3A_67, %sign3A : i32
    %sign3A_70 = arith.extui %sign3A_69 : i1 to i32
    %sign3A_71 = arith.constant 0 : i32
    %sign3A_72 = arith.cmpi slt, %add3A_67, %sign3A_71 : i32
    %sign3A_73 = arith.extui %sign3A_72 : i1 to i32
    %sign3A_74 = arith.subi %sign3A_70, %sign3A_73 : i32
    %sign3A_75 = arith.constant 0 : i32
    %sign3A_76 = arith.cmpi sgt, %jit3A_68, %sign3A_75 : i32
    %sign3A_77 = arith.extui %sign3A_76 : i1 to i32
    %sign3A_78 = arith.constant 0 : i32
    %sign3A_79 = arith.cmpi slt, %jit3A_68, %sign3A_78 : i32
    %sign3A_80 = arith.extui %sign3A_79 : i1 to i32
    %sign3A_81 = arith.subi %sign3A_77, %sign3A_80 : i32
    %ne3A = arith.cmpi ne, %sign3A_74, %sign3A_81 : i32
    %rem3A_82 = arith.remsi %add3A_67, %jit3A_68 : i32
    %ne3A_83 = arith.constant 0 : i32
    %ne3A_84 = arith.cmpi ne, %rem3A_82, %ne3A_83 : i32
    %and3A = arith.andi %ne3A, %ne3A_84 : i1
    %sub3A = arith.constant 1 : i32
    %sub3A_85 = arith.subi %div3A, %sub3A : i32
    %select_n3A_86 = arith.select %and3A, %sub3A_85, %div3A : i32
    %scan3A_87 = arith.constant 0 : i32
    %scan3A_88 = arith.constant 0 : i32
    %scan3A_89 = arith.constant 30 : i32
    %scan3A_90 = arith.addi %scan3A_88, %scan3A_89 : i32
    %scan3A_91 = arith.constant 1 : i32
    %scan3A_92 = scf.for %scan3A_156 = %scan3A_88 to %scan3A_90 step %scan3A_91 iter_args(%scan3A_157 = %scan3A_87) -> (i32)  : i32 {
      %mul3A_158 = arith.constant 2 : i32
      %mul3A_159 = arith.muli %mul3A_158, %scan3A_156 : i32
      %dma_wait3A_160 = arith.constant 0 : i32
      %dma_wait3A_161 = arith.constant 0 : i32
      %dma_wait3A_162 = tpu.memref_slice %arg8[%dma_wait3A_160, %dma_wait3A_161] : memref<128x512xf32, #tpu.memory_space<vmem>> -> memref<64x512xf32, #tpu.memory_space<vmem>>
      %dma_wait3A_163 = arith.constant 0 : i32
      %dma_wait3A_164 = arith.constant 0 : i32
      %dma_wait3A_165 = tpu.memref_slice %arg3[%dma_wait3A_163, %dma_wait3A_164] : memref<64x1000000xf32, #tpu.memory_space<hbm>> -> memref<64x512xf32, #tpu.memory_space<hbm>>
      %dma_wait3A_166 = arith.constant 0 : i32
      %dma_wait3A_167 = arith.constant 0 : i32
      %dma_wait3A_168 = tpu.memref_slice %arg8[%dma_wait3A_166, %dma_wait3A_167] : memref<128x512xf32, #tpu.memory_space<vmem>> -> memref<64x512xf32, #tpu.memory_space<vmem>>
      %dma_wait3A_169 = arith.constant 0 : i32
      %dma_wait3A_170 = arith.constant 0 : i32
      %dma_wait3A_171 = tpu.memref_slice %arg3[%dma_wait3A_169, %dma_wait3A_170] : memref<64x1000000xf32, #tpu.memory_space<hbm>> -> memref<64x512xf32, #tpu.memory_space<hbm>>
      tpu.wait_dma2 semaphore(%arg11 : memref<!tpu.dma_semaphore, #tpu.memory_space<semaphore_mem>>) src(%dma_wait3A_171 : memref<64x512xf32, #tpu.memory_space<hbm>>) dst(%dma_wait3A_168 : memref<64x512xf32, #tpu.memory_space<vmem>>)
      %mul3A_172 = arith.constant 512 : i32
      %mul3A_173 = arith.muli %mul3A_159, %mul3A_172 : i32
      %add3A_174 = arith.addi %mul3A_11, %mul3A_173 : i32
      %while3A_175 = arith.constant 0 : i32
      %while3A_176 = arith.subi %select_n3A_86, %while3A_175 : i32
      %while3A_177 = arith.addi %while3A_175, %while3A_176 : i32
      %while3A_178 = arith.constant 1 : i32
      %while3A_179 = arith.divsi %while3A_176, %while3A_178 : i32
      %while3A_180 = arith.muli %while3A_179, %while3A_178 : i32
      %while3A_181 = arith.addi %while3A_175, %while3A_180 : i32
      %while3A_182 = arith.constant 1 : i32
      %while3A_183 = scf.for %while3A_250 = %while3A_175 to %while3A_181 step %while3A_182 iter_args(%while3A_251 = %scan3A_157) -> (i32)  : i32 {
        %mul3A_252 = arith.constant 16 : i32
        %mul3A_253 = arith.muli %mul3A_252, %while3A_250 : i32
        %get3A = arith.index_cast %mul3A_253 : i32 to index
        %get3A_254 = tpu.vector_load %arg6[%get3A] {strides = array<i32>} : memref<20496xi32, #tpu.memory_space<vmem>>, vector<16xi32>,
        %ge3A = vector.broadcast %add3A_174 : i32 to vector<16xi32>
        %ge3A_255 = arith.cmpi sge, %get3A_254, %ge3A : vector<16xi32>
        %add3A_256 = arith.constant 512 : i32
        %add3A_257 = arith.addi %add3A_174, %add3A_256 : i32
        %lt3A_258 = vector.broadcast %add3A_257 : i32 to vector<16xi32>
        %lt3A_259 = arith.cmpi slt, %get3A_254, %lt3A_258 : vector<16xi32>
        %and3A_260 = arith.andi %ge3A_255, %lt3A_259 : vector<16xi1>
        %while3A_261:2 = scf.while (%while3A_262 = %and3A_260, %while3A_263 = %while3A_251) : (vector<16xi1>, i32) -> (vector<16xi1>, i32) {
          %all_reduce_population_count3A = tpu.all_reduce %while3A_262 {dim = 0 : i64, kind = #tpu.reduction_kind<sum>} : vector<16xi1> -> vector<16xi32>
          %slice3A = vector.extract_strided_slice %all_reduce_population_count3A {offsets = [0], sizes = [1], strides = [1]} : vector<16xi32> to vector<1xi32>
          %squeeze3A = vector.extract %slice3A[0] : i32 from vector<1xi32>
          %gt3A = arith.constant 0 : i32
          %gt3A_264 = arith.cmpi sgt, %squeeze3A, %gt3A : i32
          scf.condition(%gt3A_264) %while3A_262, %while3A_263 : vector<16xi1>, i32
        } do {
        ^bb0(%while3A_262: vector<16xi1>, %while3A_263: i32):
          %all_reduce_ffs3A = tpu.all_reduce %while3A_262 {dim = 0 : i64, kind = #tpu.reduction_kind<find_first_set>} : vector<16xi1> -> vector<16xi32>
          %slice3A = vector.extract_strided_slice %all_reduce_ffs3A {offsets = [0], sizes = [1], strides = [1]} : vector<16xi32> to vector<1xi32>
          %squeeze3A = vector.extract %slice3A[0] : i32 from vector<1xi32>
          %mul3A_264 = arith.constant 16 : i32
          %mul3A_265 = arith.muli %mul3A_264, %while3A_250 : i32
          %add3A_266 = arith.addi %mul3A_265, %squeeze3A : i32
          %broadcast_in_dim3A_267 = vector.broadcast %add3A_266 : i32 to vector<16xi32>
          %gather3A = tpu.vector_load_idx %arg6[%broadcast_in_dim3A_267] : memref<20496xi32, #tpu.memory_space<vmem>>[vector<16xi32>], vector<16xi32>,
          %slice3A_268 = vector.extract_strided_slice %gather3A {offsets = [0], sizes = [1], strides = [1]} : vector<16xi32> to vector<1xi32>
          %squeeze3A_269 = vector.extract %slice3A_268[0] : i32 from vector<1xi32>
          %broadcast_in_dim3A_270 = vector.broadcast %add3A_266 : i32 to vector<16xi32>
          %gather3A_271 = tpu.vector_load_idx %arg7[%broadcast_in_dim3A_270] : memref<20496xi32, #tpu.memory_space<vmem>>[vector<16xi32>], vector<16xi32>,
          %slice3A_272 = vector.extract_strided_slice %gather3A_271 {offsets = [0], sizes = [1], strides = [1]} : vector<16xi32> to vector<1xi32>
          %squeeze3A_273 = vector.extract %slice3A_272[0] : i32 from vector<1xi32>
          %sub3A_274 = arith.subi %squeeze3A_269, %add3A_174 : i32
          %broadcast_in_dim3A_275 = vector.broadcast %sub3A_274 : i32 to vector<16xi32>
          %rem3A_276 = arith.constant 16 : i32
          %rem3A_277 = arith.remsi %while3A_263, %rem3A_276 : i32
          %broadcast_in_dim3A_278 = vector.broadcast %rem3A_277 : i32 to vector<16xi32>
          %add3A_279 = arith.constant 0 : i32
          %add3A_280 = vector.broadcast %add3A_279 : i32 to vector<16xi32>
          %add3A_281 = arith.addi %add3A_280, %iota3A : vector<16xi32>
          %gather3A_282 = tpu.vector_load_idx %arg8[%add3A_281, %broadcast_in_dim3A_275] : memref<128x512xf32, #tpu.memory_space<vmem>>[vector<16xi32>, vector<16xi32>], vector<16xf32>,
          %add3A_283 = arith.constant 0 : i32
          %add3A_284 = vector.broadcast %add3A_283 : i32 to vector<16xi32>
          %add3A_285 = arith.addi %add3A_284, %iota3A : vector<16xi32>
          tpu.vector_store_idx %arg9[%broadcast_in_dim3A_278, %add3A_285], %gather3A_282 : memref<16x128xf32, #tpu.memory_space<vmem>>[vector<16xi32>, vector<16xi32>], vector<16xf32>,
          %add3A_286 = arith.constant 16 : i32
          %add3A_287 = vector.broadcast %add3A_286 : i32 to vector<16xi32>
          %add3A_288 = arith.addi %add3A_287, %iota3A : vector<16xi32>
          %gather3A_289 = tpu.vector_load_idx %arg8[%add3A_288, %broadcast_in_dim3A_275] : memref<128x512xf32, #tpu.memory_space<vmem>>[vector<16xi32>, vector<16xi32>], vector<16xf32>,
          %add3A_290 = arith.constant 16 : i32
          %add3A_291 = vector.broadcast %add3A_290 : i32 to vector<16xi32>
          %add3A_292 = arith.addi %add3A_291, %iota3A : vector<16xi32>
          tpu.vector_store_idx %arg9[%broadcast_in_dim3A_278, %add3A_292], %gather3A_289 : memref<16x128xf32, #tpu.memory_space<vmem>>[vector<16xi32>, vector<16xi32>], vector<16xf32>,
          %add3A_293 = arith.constant 32 : i32
          %add3A_294 = vector.broadcast %add3A_293 : i32 to vector<16xi32>
          %add3A_295 = arith.addi %add3A_294, %iota3A : vector<16xi32>
          %gather3A_296 = tpu.vector_load_idx %arg8[%add3A_295, %broadcast_in_dim3A_275] : memref<128x512xf32, #tpu.memory_space<vmem>>[vector<16xi32>, vector<16xi32>], vector<16xf32>,
          %add3A_297 = arith.constant 32 : i32
          %add3A_298 = vector.broadcast %add3A_297 : i32 to vector<16xi32>
          %add3A_299 = arith.addi %add3A_298, %iota3A : vector<16xi32>
          tpu.vector_store_idx %arg9[%broadcast_in_dim3A_278, %add3A_299], %gather3A_296 : memref<16x128xf32, #tpu.memory_space<vmem>>[vector<16xi32>, vector<16xi32>], vector<16xf32>,
          %add3A_300 = arith.constant 48 : i32
          %add3A_301 = vector.broadcast %add3A_300 : i32 to vector<16xi32>
          %add3A_302 = arith.addi %add3A_301, %iota3A : vector<16xi32>
          %gather3A_303 = tpu.vector_load_idx %arg8[%add3A_302, %broadcast_in_dim3A_275] : memref<128x512xf32, #tpu.memory_space<vmem>>[vector<16xi32>, vector<16xi32>], vector<16xf32>,
          %add3A_304 = arith.constant 48 : i32
          %add3A_305 = vector.broadcast %add3A_304 : i32 to vector<16xi32>
          %add3A_306 = arith.addi %add3A_305, %iota3A : vector<16xi32>
          tpu.vector_store_idx %arg9[%broadcast_in_dim3A_278, %add3A_306], %gather3A_303 : memref<16x128xf32, #tpu.memory_space<vmem>>[vector<16xi32>, vector<16xi32>], vector<16xf32>,
          %broadcast_in_dim3A_307 = vector.broadcast %squeeze3A_273 : i32 to vector<16xi32>
          %eq3A = arith.constant 0 : i32
          %eq3A_308 = vector.broadcast %eq3A : i32 to vector<16xi32>
          %eq3A_309 = arith.cmpi eq, %iota3A, %eq3A_308 : vector<16xi32>
          tpu.vector_store_idx %arg10[%broadcast_in_dim3A_278], %broadcast_in_dim3A_307 masked %eq3A_309 : memref<16xi32, #tpu.memory_space<vmem>>[vector<16xi32>], vector<16xi32>, vector<16xi1>
          %add3A_310 = arith.constant 1 : i32
          %add3A_311 = arith.addi %while3A_263, %add3A_310 : i32
          %rem3A_312 = arith.constant 16 : i32
          %rem3A_313 = arith.remsi %add3A_311, %rem3A_312 : i32
          %eq3A_314 = arith.constant 0 : i32
          %eq3A_315 = arith.cmpi eq, %rem3A_313, %eq3A_314 : i32
          %convert_element_type3A = arith.extui %eq3A_315 : i1 to i32
          %cond3A = arith.constant 0 : i32
          %cond3A_316 = arith.cmpi ne, %convert_element_type3A, %cond3A : i32
          scf.if %cond3A_316 {
            %dma_start3A_320 = arith.constant 0 : i32
            %dma_start3A_321 = arith.constant 0 : i32
            %dma_start3A_322 = tpu.memref_slice %arg4[%dma_start3A_320, %dma_start3A_321] : memref<24576x128xf32, #tpu.memory_space<hbm>> -> memref<24576x128xf32, #tpu.memory_space<hbm>>
            tpu.enqueue_indirect_dma source(%arg9 : memref<16x128xf32, #tpu.memory_space<vmem>>) target(%dma_start3A_322 : memref<24576x128xf32, #tpu.memory_space<hbm>>) offsets(%arg10 : memref<16xi32, #tpu.memory_space<vmem>>) semaphore(%arg13 : memref<!tpu.dma_semaphore, #tpu.memory_space<semaphore_mem>>)
            %dma_wait3A_323 = arith.constant 0 : i32
            %dma_wait3A_324 = arith.constant 0 : i32
            %dma_wait3A_325 = tpu.memref_slice %arg4[%dma_wait3A_323, %dma_wait3A_324] : memref<24576x128xf32, #tpu.memory_space<hbm>> -> memref<24576x128xf32, #tpu.memory_space<hbm>>
            tpu.wait_indirect_dma semaphore(%arg13 : memref<!tpu.dma_semaphore, #tpu.memory_space<semaphore_mem>>) src(%arg9 : memref<16x128xf32, #tpu.memory_space<vmem>>) dst(%dma_wait3A_325 : memref<24576x128xf32, #tpu.memory_space<hbm>>)
            %swap3A_326 = arith.constant 0 : index
            %swap3A_327 = tpu.vector_load %arg10[%swap3A_326] {strides = array<i32>} : memref<16xi32, #tpu.memory_space<vmem>>, vector<16xi32>,
            tpu.vector_store %arg10[%swap3A_326], %add3A_9 {strides = array<i32>} : memref<16xi32, #tpu.memory_space<vmem>>, vector<16xi32>,
          } else {
          }
          %ne3A_317 = vector.broadcast %squeeze3A : i32 to vector<16xi32>
          %ne3A_318 = arith.cmpi ne, %iota3A, %ne3A_317 : vector<16xi32>
          %and3A_319 = arith.andi %while3A_262, %ne3A_318 : vector<16xi1>
          scf.yield %and3A_319, %add3A_311 : vector<16xi1>, i32
        }
        scf.yield %while3A_261#1 : i32
      }
      %while3A_184 = arith.constant 1 : i32
      %while3A_185 = scf.for %while3A_250 = %while3A_181 to %while3A_177 step %while3A_184 iter_args(%while3A_251 = %while3A_183) -> (i32)  : i32 {
        %mul3A_252 = arith.constant 16 : i32
        %mul3A_253 = arith.muli %mul3A_252, %while3A_250 : i32
        %get3A = arith.index_cast %mul3A_253 : i32 to index
        %get3A_254 = tpu.vector_load %arg6[%get3A] {strides = array<i32>} : memref<20496xi32, #tpu.memory_space<vmem>>, vector<16xi32>,
        %ge3A = vector.broadcast %add3A_174 : i32 to vector<16xi32>
        %ge3A_255 = arith.cmpi sge, %get3A_254, %ge3A : vector<16xi32>
        %add3A_256 = arith.constant 512 : i32
        %add3A_257 = arith.addi %add3A_174, %add3A_256 : i32
        %lt3A_258 = vector.broadcast %add3A_257 : i32 to vector<16xi32>
        %lt3A_259 = arith.cmpi slt, %get3A_254, %lt3A_258 : vector<16xi32>
        %and3A_260 = arith.andi %ge3A_255, %lt3A_259 : vector<16xi1>
        %while3A_261:2 = scf.while (%while3A_262 = %and3A_260, %while3A_263 = %while3A_251) : (vector<16xi1>, i32) -> (vector<16xi1>, i32) {
          %all_reduce_population_count3A = tpu.all_reduce %while3A_262 {dim = 0 : i64, kind = #tpu.reduction_kind<sum>} : vector<16xi1> -> vector<16xi32>
          %slice3A = vector.extract_strided_slice %all_reduce_population_count3A {offsets = [0], sizes = [1], strides = [1]} : vector<16xi32> to vector<1xi32>
          %squeeze3A = vector.extract %slice3A[0] : i32 from vector<1xi32>
          %gt3A = arith.constant 0 : i32
          %gt3A_264 = arith.cmpi sgt, %squeeze3A, %gt3A : i32
          scf.condition(%gt3A_264) %while3A_262, %while3A_263 : vector<16xi1>, i32
        } do {
        ^bb0(%while3A_262: vector<16xi1>, %while3A_263: i32):
          %all_reduce_ffs3A = tpu.all_reduce %while3A_262 {dim = 0 : i64, kind = #tpu.reduction_kind<find_first_set>} : vector<16xi1> -> vector<16xi32>
          %slice3A = vector.extract_strided_slice %all_reduce_ffs3A {offsets = [0], sizes = [1], strides = [1]} : vector<16xi32> to vector<1xi32>
          %squeeze3A = vector.extract %slice3A[0] : i32 from vector<1xi32>
          %mul3A_264 = arith.constant 16 : i32
          %mul3A_265 = arith.muli %mul3A_264, %while3A_250 : i32
          %add3A_266 = arith.addi %mul3A_265, %squeeze3A : i32
          %broadcast_in_dim3A_267 = vector.broadcast %add3A_266 : i32 to vector<16xi32>
          %gather3A = tpu.vector_load_idx %arg6[%broadcast_in_dim3A_267] : memref<20496xi32, #tpu.memory_space<vmem>>[vector<16xi32>], vector<16xi32>,
          %slice3A_268 = vector.extract_strided_slice %gather3A {offsets = [0], sizes = [1], strides = [1]} : vector<16xi32> to vector<1xi32>
          %squeeze3A_269 = vector.extract %slice3A_268[0] : i32 from vector<1xi32>
          %broadcast_in_dim3A_270 = vector.broadcast %add3A_266 : i32 to vector<16xi32>
          %gather3A_271 = tpu.vector_load_idx %arg7[%broadcast_in_dim3A_270] : memref<20496xi32, #tpu.memory_space<vmem>>[vector<16xi32>], vector<16xi32>,
          %slice3A_272 = vector.extract_strided_slice %gather3A_271 {offsets = [0], sizes = [1], strides = [1]} : vector<16xi32> to vector<1xi32>
          %squeeze3A_273 = vector.extract %slice3A_272[0] : i32 from vector<1xi32>
          %sub3A_274 = arith.subi %squeeze3A_269, %add3A_174 : i32
          %broadcast_in_dim3A_275 = vector.broadcast %sub3A_274 : i32 to vector<16xi32>
          %rem3A_276 = arith.constant 16 : i32
          %rem3A_277 = arith.remsi %while3A_263, %rem3A_276 : i32
          %broadcast_in_dim3A_278 = vector.broadcast %rem3A_277 : i32 to vector<16xi32>
          %add3A_279 = arith.constant 0 : i32
          %add3A_280 = vector.broadcast %add3A_279 : i32 to vector<16xi32>
          %add3A_281 = arith.addi %add3A_280, %iota3A : vector<16xi32>
          %gather3A_282 = tpu.vector_load_idx %arg8[%add3A_281, %broadcast_in_dim3A_275] : memref<128x512xf32, #tpu.memory_space<vmem>>[vector<16xi32>, vector<16xi32>], vector<16xf32>,
          %add3A_283 = arith.constant 0 : i32
          %add3A_284 = vector.broadcast %add3A_283 : i32 to vector<16xi32>
          %add3A_285 = arith.addi %add3A_284, %iota3A : vector<16xi32>
          tpu.vector_store_idx %arg9[%broadcast_in_dim3A_278, %add3A_285], %gather3A_282 : memref<16x128xf32, #tpu.memory_space<vmem>>[vector<16xi32>, vector<16xi32>], vector<16xf32>,
          %add3A_286 = arith.constant 16 : i32
          %add3A_287 = vector.broadcast %add3A_286 : i32 to vector<16xi32>
          %add3A_288 = arith.addi %add3A_287, %iota3A : vector<16xi32>
          %gather3A_289 = tpu.vector_load_idx %arg8[%add3A_288, %broadcast_in_dim3A_275] : memref<128x512xf32, #tpu.memory_space<vmem>>[vector<16xi32>, vector<16xi32>], vector<16xf32>,
          %add3A_290 = arith.constant 16 : i32
          %add3A_291 = vector.broadcast %add3A_290 : i32 to vector<16xi32>
          %add3A_292 = arith.addi %add3A_291, %iota3A : vector<16xi32>
          tpu.vector_store_idx %arg9[%broadcast_in_dim3A_278, %add3A_292], %gather3A_289 : memref<16x128xf32, #tpu.memory_space<vmem>>[vector<16xi32>, vector<16xi32>], vector<16xf32>,
          %add3A_293 = arith.constant 32 : i32
          %add3A_294 = vector.broadcast %add3A_293 : i32 to vector<16xi32>
          %add3A_295 = arith.addi %add3A_294, %iota3A : vector<16xi32>
          %gather3A_296 = tpu.vector_load_idx %arg8[%add3A_295, %broadcast_in_dim3A_275] : memref<128x512xf32, #tpu.memory_space<vmem>>[vector<16xi32>, vector<16xi32>], vector<16xf32>,
          %add3A_297 = arith.constant 32 : i32
          %add3A_298 = vector.broadcast %add3A_297 : i32 to vector<16xi32>
          %add3A_299 = arith.addi %add3A_298, %iota3A : vector<16xi32>
          tpu.vector_store_idx %arg9[%broadcast_in_dim3A_278, %add3A_299], %gather3A_296 : memref<16x128xf32, #tpu.memory_space<vmem>>[vector<16xi32>, vector<16xi32>], vector<16xf32>,
          %add3A_300 = arith.constant 48 : i32
          %add3A_301 = vector.broadcast %add3A_300 : i32 to vector<16xi32>
          %add3A_302 = arith.addi %add3A_301, %iota3A : vector<16xi32>
          %gather3A_303 = tpu.vector_load_idx %arg8[%add3A_302, %broadcast_in_dim3A_275] : memref<128x512xf32, #tpu.memory_space<vmem>>[vector<16xi32>, vector<16xi32>], vector<16xf32>,
          %add3A_304 = arith.constant 48 : i32
          %add3A_305 = vector.broadcast %add3A_304 : i32 to vector<16xi32>
          %add3A_306 = arith.addi %add3A_305, %iota3A : vector<16xi32>
          tpu.vector_store_idx %arg9[%broadcast_in_dim3A_278, %add3A_306], %gather3A_303 : memref<16x128xf32, #tpu.memory_space<vmem>>[vector<16xi32>, vector<16xi32>], vector<16xf32>,
          %broadcast_in_dim3A_307 = vector.broadcast %squeeze3A_273 : i32 to vector<16xi32>
          %eq3A = arith.constant 0 : i32
          %eq3A_308 = vector.broadcast %eq3A : i32 to vector<16xi32>
          %eq3A_309 = arith.cmpi eq, %iota3A, %eq3A_308 : vector<16xi32>
          tpu.vector_store_idx %arg10[%broadcast_in_dim3A_278], %broadcast_in_dim3A_307 masked %eq3A_309 : memref<16xi32, #tpu.memory_space<vmem>>[vector<16xi32>], vector<16xi32>, vector<16xi1>
          %add3A_310 = arith.constant 1 : i32
          %add3A_311 = arith.addi %while3A_263, %add3A_310 : i32
          %rem3A_312 = arith.constant 16 : i32
          %rem3A_313 = arith.remsi %add3A_311, %rem3A_312 : i32
          %eq3A_314 = arith.constant 0 : i32
          %eq3A_315 = arith.cmpi eq, %rem3A_313, %eq3A_314 : i32
          %convert_element_type3A = arith.extui %eq3A_315 : i1 to i32
          %cond3A = arith.constant 0 : i32
          %cond3A_316 = arith.cmpi ne, %convert_element_type3A, %cond3A : i32
          scf.if %cond3A_316 {
            %dma_start3A_320 = arith.constant 0 : i32
            %dma_start3A_321 = arith.constant 0 : i32
            %dma_start3A_322 = tpu.memref_slice %arg4[%dma_start3A_320, %dma_start3A_321] : memref<24576x128xf32, #tpu.memory_space<hbm>> -> memref<24576x128xf32, #tpu.memory_space<hbm>>
            tpu.enqueue_indirect_dma source(%arg9 : memref<16x128xf32, #tpu.memory_space<vmem>>) target(%dma_start3A_322 : memref<24576x128xf32, #tpu.memory_space<hbm>>) offsets(%arg10 : memref<16xi32, #tpu.memory_space<vmem>>) semaphore(%arg13 : memref<!tpu.dma_semaphore, #tpu.memory_space<semaphore_mem>>)
            %dma_wait3A_323 = arith.constant 0 : i32
            %dma_wait3A_324 = arith.constant 0 : i32
            %dma_wait3A_325 = tpu.memref_slice %arg4[%dma_wait3A_323, %dma_wait3A_324] : memref<24576x128xf32, #tpu.memory_space<hbm>> -> memref<24576x128xf32, #tpu.memory_space<hbm>>
            tpu.wait_indirect_dma semaphore(%arg13 : memref<!tpu.dma_semaphore, #tpu.memory_space<semaphore_mem>>) src(%arg9 : memref<16x128xf32, #tpu.memory_space<vmem>>) dst(%dma_wait3A_325 : memref<24576x128xf32, #tpu.memory_space<hbm>>)
            %swap3A_326 = arith.constant 0 : index
            %swap3A_327 = tpu.vector_load %arg10[%swap3A_326] {strides = array<i32>} : memref<16xi32, #tpu.memory_space<vmem>>, vector<16xi32>,
            tpu.vector_store %arg10[%swap3A_326], %add3A_9 {strides = array<i32>} : memref<16xi32, #tpu.memory_space<vmem>>, vector<16xi32>,
          } else {
          }
          %ne3A_317 = vector.broadcast %squeeze3A : i32 to vector<16xi32>
          %ne3A_318 = arith.cmpi ne, %iota3A, %ne3A_317 : vector<16xi32>
          %and3A_319 = arith.andi %while3A_262, %ne3A_318 : vector<16xi1>
          scf.yield %and3A_319, %add3A_311 : vector<16xi1>, i32
        }
        scf.yield %while3A_261#1 : i32
      }
      %add3A_186 = arith.constant 2 : i32
      %add3A_187 = arith.addi %mul3A_159, %add3A_186 : i32
      %rem3A_188 = arith.constant 61 : i32
      %rem3A_189 = arith.remsi %add3A_187, %rem3A_188 : i32
      %mul3A_190 = arith.constant 512 : i32
      %mul3A_191 = arith.muli %rem3A_189, %mul3A_190 : i32
      %add3A_192 = arith.addi %mul3A_11, %mul3A_191 : i32
      %multiple_of3A_193 = tpu.assume_multiple %add3A_192, 128 : i32
      %dma_start3A_194 = arith.constant 0 : i32
      %dma_start3A_195 = arith.constant 0 : i32
      %dma_start3A_196 = tpu.memref_slice %arg8[%dma_start3A_194, %dma_start3A_195] : memref<128x512xf32, #tpu.memory_space<vmem>> -> memref<64x512xf32, #tpu.memory_space<vmem>>
      %dma_start3A_197 = arith.constant 0 : i32
      %dma_start3A_198 = tpu.memref_slice %arg3[%dma_start3A_197, %multiple_of3A_193] : memref<64x1000000xf32, #tpu.memory_space<hbm>> -> memref<64x512xf32, #tpu.memory_space<hbm>>
      %dma_start3A_199 = arith.constant 0 : i32
      %dma_start3A_200 = arith.constant 0 : i32
      %dma_start3A_201 = tpu.memref_slice %arg8[%dma_start3A_199, %dma_start3A_200] : memref<128x512xf32, #tpu.memory_space<vmem>> -> memref<64x512xf32, #tpu.memory_space<vmem>>
      %dma_start3A_202 = arith.constant 0 : i32
      %dma_start3A_203 = tpu.memref_slice %arg3[%dma_start3A_202, %multiple_of3A_193] : memref<64x1000000xf32, #tpu.memory_space<hbm>> -> memref<64x512xf32, #tpu.memory_space<hbm>>
      tpu.enqueue_dma source(%dma_start3A_203 : memref<64x512xf32, #tpu.memory_space<hbm>>) target(%dma_start3A_201 : memref<64x512xf32, #tpu.memory_space<vmem>>) target_semaphore(%arg11 : memref<!tpu.dma_semaphore, #tpu.memory_space<semaphore_mem>>)
      %dma_wait3A_204 = arith.constant 0 : i32
      %dma_wait3A_205 = arith.constant 0 : i32
      %dma_wait3A_206 = tpu.memref_slice %arg8[%dma_wait3A_204, %dma_wait3A_205] : memref<128x512xf32, #tpu.memory_space<vmem>> -> memref<64x512xf32, #tpu.memory_space<vmem>>
      %dma_wait3A_207 = arith.constant 0 : i32
      %dma_wait3A_208 = arith.constant 0 : i32
      %dma_wait3A_209 = tpu.memref_slice %arg3[%dma_wait3A_207, %dma_wait3A_208] : memref<64x1000000xf32, #tpu.memory_space<hbm>> -> memref<64x512xf32, #tpu.memory_space<hbm>>
      %dma_wait3A_210 = arith.constant 0 : i32
      %dma_wait3A_211 = arith.constant 0 : i32
      %dma_wait3A_212 = tpu.memref_slice %arg8[%dma_wait3A_210, %dma_wait3A_211] : memref<128x512xf32, #tpu.memory_space<vmem>> -> memref<64x512xf32, #tpu.memory_space<vmem>>
      %dma_wait3A_213 = arith.constant 0 : i32
      %dma_wait3A_214 = arith.constant 0 : i32
      %dma_wait3A_215 = tpu.memref_slice %arg3[%dma_wait3A_213, %dma_wait3A_214] : memref<64x1000000xf32, #tpu.memory_space<hbm>> -> memref<64x512xf32, #tpu.memory_space<hbm>>
      tpu.wait_dma2 semaphore(%arg12 : memref<!tpu.dma_semaphore, #tpu.memory_space<semaphore_mem>>) src(%dma_wait3A_215 : memref<64x512xf32, #tpu.memory_space<hbm>>) dst(%dma_wait3A_212 : memref<64x512xf32, #tpu.memory_space<vmem>>)
      %add3A_216 = arith.constant 1 : i32
      %add3A_217 = arith.addi %mul3A_159, %add3A_216 : i32
      %mul3A_218 = arith.constant 512 : i32
      %mul3A_219 = arith.muli %add3A_217, %mul3A_218 : i32
      %add3A_220 = arith.addi %mul3A_11, %mul3A_219 : i32
      %while3A_221 = arith.constant 0 : i32
      %while3A_222 = arith.subi %select_n3A_86, %while3A_221 : i32
      %while3A_223 = arith.addi %while3A_221, %while3A_222 : i32
      %while3A_224 = arith.constant 1 : i32
      %while3A_225 = arith.divsi %while3A_222, %while3A_224 : i32
      %while3A_226 = arith.muli %while3A_225, %while3A_224 : i32
      %while3A_227 = arith.addi %while3A_221, %while3A_226 : i32
      %while3A_228 = arith.constant 1 : i32
      %while3A_229 = scf.for %while3A_250 = %while3A_221 to %while3A_227 step %while3A_228 iter_args(%while3A_251 = %while3A_185) -> (i32)  : i32 {
        %mul3A_252 = arith.constant 16 : i32
        %mul3A_253 = arith.muli %mul3A_252, %while3A_250 : i32
        %get3A = arith.index_cast %mul3A_253 : i32 to index
        %get3A_254 = tpu.vector_load %arg6[%get3A] {strides = array<i32>} : memref<20496xi32, #tpu.memory_space<vmem>>, vector<16xi32>,
        %ge3A = vector.broadcast %add3A_220 : i32 to vector<16xi32>
        %ge3A_255 = arith.cmpi sge, %get3A_254, %ge3A : vector<16xi32>
        %add3A_256 = arith.constant 512 : i32
        %add3A_257 = arith.addi %add3A_220, %add3A_256 : i32
        %lt3A_258 = vector.broadcast %add3A_257 : i32 to vector<16xi32>
        %lt3A_259 = arith.cmpi slt, %get3A_254, %lt3A_258 : vector<16xi32>
        %and3A_260 = arith.andi %ge3A_255, %lt3A_259 : vector<16xi1>
        %while3A_261:2 = scf.while (%while3A_262 = %and3A_260, %while3A_263 = %while3A_251) : (vector<16xi1>, i32) -> (vector<16xi1>, i32) {
          %all_reduce_population_count3A = tpu.all_reduce %while3A_262 {dim = 0 : i64, kind = #tpu.reduction_kind<sum>} : vector<16xi1> -> vector<16xi32>
          %slice3A = vector.extract_strided_slice %all_reduce_population_count3A {offsets = [0], sizes = [1], strides = [1]} : vector<16xi32> to vector<1xi32>
          %squeeze3A = vector.extract %slice3A[0] : i32 from vector<1xi32>
          %gt3A = arith.constant 0 : i32
          %gt3A_264 = arith.cmpi sgt, %squeeze3A, %gt3A : i32
          scf.condition(%gt3A_264) %while3A_262, %while3A_263 : vector<16xi1>, i32
        } do {
        ^bb0(%while3A_262: vector<16xi1>, %while3A_263: i32):
          %all_reduce_ffs3A = tpu.all_reduce %while3A_262 {dim = 0 : i64, kind = #tpu.reduction_kind<find_first_set>} : vector<16xi1> -> vector<16xi32>
          %slice3A = vector.extract_strided_slice %all_reduce_ffs3A {offsets = [0], sizes = [1], strides = [1]} : vector<16xi32> to vector<1xi32>
          %squeeze3A = vector.extract %slice3A[0] : i32 from vector<1xi32>
          %mul3A_264 = arith.constant 16 : i32
          %mul3A_265 = arith.muli %mul3A_264, %while3A_250 : i32
          %add3A_266 = arith.addi %mul3A_265, %squeeze3A : i32
          %broadcast_in_dim3A_267 = vector.broadcast %add3A_266 : i32 to vector<16xi32>
          %gather3A = tpu.vector_load_idx %arg6[%broadcast_in_dim3A_267] : memref<20496xi32, #tpu.memory_space<vmem>>[vector<16xi32>], vector<16xi32>,
          %slice3A_268 = vector.extract_strided_slice %gather3A {offsets = [0], sizes = [1], strides = [1]} : vector<16xi32> to vector<1xi32>
          %squeeze3A_269 = vector.extract %slice3A_268[0] : i32 from vector<1xi32>
          %broadcast_in_dim3A_270 = vector.broadcast %add3A_266 : i32 to vector<16xi32>
          %gather3A_271 = tpu.vector_load_idx %arg7[%broadcast_in_dim3A_270] : memref<20496xi32, #tpu.memory_space<vmem>>[vector<16xi32>], vector<16xi32>,
          %slice3A_272 = vector.extract_strided_slice %gather3A_271 {offsets = [0], sizes = [1], strides = [1]} : vector<16xi32> to vector<1xi32>
          %squeeze3A_273 = vector.extract %slice3A_272[0] : i32 from vector<1xi32>
          %sub3A_274 = arith.subi %squeeze3A_269, %add3A_220 : i32
          %broadcast_in_dim3A_275 = vector.broadcast %sub3A_274 : i32 to vector<16xi32>
          %rem3A_276 = arith.constant 16 : i32
          %rem3A_277 = arith.remsi %while3A_263, %rem3A_276 : i32
          %broadcast_in_dim3A_278 = vector.broadcast %rem3A_277 : i32 to vector<16xi32>
          %add3A_279 = arith.constant 64 : i32
          %add3A_280 = vector.broadcast %add3A_279 : i32 to vector<16xi32>
          %add3A_281 = arith.addi %add3A_280, %iota3A : vector<16xi32>
          %gather3A_282 = tpu.vector_load_idx %arg8[%add3A_281, %broadcast_in_dim3A_275] : memref<128x512xf32, #tpu.memory_space<vmem>>[vector<16xi32>, vector<16xi32>], vector<16xf32>,
          %add3A_283 = arith.constant 0 : i32
          %add3A_284 = vector.broadcast %add3A_283 : i32 to vector<16xi32>
          %add3A_285 = arith.addi %add3A_284, %iota3A : vector<16xi32>
          tpu.vector_store_idx %arg9[%broadcast_in_dim3A_278, %add3A_285], %gather3A_282 : memref<16x128xf32, #tpu.memory_space<vmem>>[vector<16xi32>, vector<16xi32>], vector<16xf32>,
          %add3A_286 = arith.constant 80 : i32
          %add3A_287 = vector.broadcast %add3A_286 : i32 to vector<16xi32>
          %add3A_288 = arith.addi %add3A_287, %iota3A : vector<16xi32>
          %gather3A_289 = tpu.vector_load_idx %arg8[%add3A_288, %broadcast_in_dim3A_275] : memref<128x512xf32, #tpu.memory_space<vmem>>[vector<16xi32>, vector<16xi32>], vector<16xf32>,
          %add3A_290 = arith.constant 16 : i32
          %add3A_291 = vector.broadcast %add3A_290 : i32 to vector<16xi32>
          %add3A_292 = arith.addi %add3A_291, %iota3A : vector<16xi32>
          tpu.vector_store_idx %arg9[%broadcast_in_dim3A_278, %add3A_292], %gather3A_289 : memref<16x128xf32, #tpu.memory_space<vmem>>[vector<16xi32>, vector<16xi32>], vector<16xf32>,
          %add3A_293 = arith.constant 96 : i32
          %add3A_294 = vector.broadcast %add3A_293 : i32 to vector<16xi32>
          %add3A_295 = arith.addi %add3A_294, %iota3A : vector<16xi32>
          %gather3A_296 = tpu.vector_load_idx %arg8[%add3A_295, %broadcast_in_dim3A_275] : memref<128x512xf32, #tpu.memory_space<vmem>>[vector<16xi32>, vector<16xi32>], vector<16xf32>,
          %add3A_297 = arith.constant 32 : i32
          %add3A_298 = vector.broadcast %add3A_297 : i32 to vector<16xi32>
          %add3A_299 = arith.addi %add3A_298, %iota3A : vector<16xi32>
          tpu.vector_store_idx %arg9[%broadcast_in_dim3A_278, %add3A_299], %gather3A_296 : memref<16x128xf32, #tpu.memory_space<vmem>>[vector<16xi32>, vector<16xi32>], vector<16xf32>,
          %add3A_300 = arith.constant 112 : i32
          %add3A_301 = vector.broadcast %add3A_300 : i32 to vector<16xi32>
          %add3A_302 = arith.addi %add3A_301, %iota3A : vector<16xi32>
          %gather3A_303 = tpu.vector_load_idx %arg8[%add3A_302, %broadcast_in_dim3A_275] : memref<128x512xf32, #tpu.memory_space<vmem>>[vector<16xi32>, vector<16xi32>], vector<16xf32>,
          %add3A_304 = arith.constant 48 : i32
          %add3A_305 = vector.broadcast %add3A_304 : i32 to vector<16xi32>
          %add3A_306 = arith.addi %add3A_305, %iota3A : vector<16xi32>
          tpu.vector_store_idx %arg9[%broadcast_in_dim3A_278, %add3A_306], %gather3A_303 : memref<16x128xf32, #tpu.memory_space<vmem>>[vector<16xi32>, vector<16xi32>], vector<16xf32>,
          %broadcast_in_dim3A_307 = vector.broadcast %squeeze3A_273 : i32 to vector<16xi32>
          %eq3A = arith.constant 0 : i32
          %eq3A_308 = vector.broadcast %eq3A : i32 to vector<16xi32>
          %eq3A_309 = arith.cmpi eq, %iota3A, %eq3A_308 : vector<16xi32>
          tpu.vector_store_idx %arg10[%broadcast_in_dim3A_278], %broadcast_in_dim3A_307 masked %eq3A_309 : memref<16xi32, #tpu.memory_space<vmem>>[vector<16xi32>], vector<16xi32>, vector<16xi1>
          %add3A_310 = arith.constant 1 : i32
          %add3A_311 = arith.addi %while3A_263, %add3A_310 : i32
          %rem3A_312 = arith.constant 16 : i32
          %rem3A_313 = arith.remsi %add3A_311, %rem3A_312 : i32
          %eq3A_314 = arith.constant 0 : i32
          %eq3A_315 = arith.cmpi eq, %rem3A_313, %eq3A_314 : i32
          %convert_element_type3A = arith.extui %eq3A_315 : i1 to i32
          %cond3A = arith.constant 0 : i32
          %cond3A_316 = arith.cmpi ne, %convert_element_type3A, %cond3A : i32
          scf.if %cond3A_316 {
            %dma_start3A_320 = arith.constant 0 : i32
            %dma_start3A_321 = arith.constant 0 : i32
            %dma_start3A_322 = tpu.memref_slice %arg4[%dma_start3A_320, %dma_start3A_321] : memref<24576x128xf32, #tpu.memory_space<hbm>> -> memref<24576x128xf32, #tpu.memory_space<hbm>>
            tpu.enqueue_indirect_dma source(%arg9 : memref<16x128xf32, #tpu.memory_space<vmem>>) target(%dma_start3A_322 : memref<24576x128xf32, #tpu.memory_space<hbm>>) offsets(%arg10 : memref<16xi32, #tpu.memory_space<vmem>>) semaphore(%arg13 : memref<!tpu.dma_semaphore, #tpu.memory_space<semaphore_mem>>)
            %dma_wait3A_323 = arith.constant 0 : i32
            %dma_wait3A_324 = arith.constant 0 : i32
            %dma_wait3A_325 = tpu.memref_slice %arg4[%dma_wait3A_323, %dma_wait3A_324] : memref<24576x128xf32, #tpu.memory_space<hbm>> -> memref<24576x128xf32, #tpu.memory_space<hbm>>
            tpu.wait_indirect_dma semaphore(%arg13 : memref<!tpu.dma_semaphore, #tpu.memory_space<semaphore_mem>>) src(%arg9 : memref<16x128xf32, #tpu.memory_space<vmem>>) dst(%dma_wait3A_325 : memref<24576x128xf32, #tpu.memory_space<hbm>>)
            %swap3A_326 = arith.constant 0 : index
            %swap3A_327 = tpu.vector_load %arg10[%swap3A_326] {strides = array<i32>} : memref<16xi32, #tpu.memory_space<vmem>>, vector<16xi32>,
            tpu.vector_store %arg10[%swap3A_326], %add3A_9 {strides = array<i32>} : memref<16xi32, #tpu.memory_space<vmem>>, vector<16xi32>,
          } else {
          }
          %ne3A_317 = vector.broadcast %squeeze3A : i32 to vector<16xi32>
          %ne3A_318 = arith.cmpi ne, %iota3A, %ne3A_317 : vector<16xi32>
          %and3A_319 = arith.andi %while3A_262, %ne3A_318 : vector<16xi1>
          scf.yield %and3A_319, %add3A_311 : vector<16xi1>, i32
        }
        scf.yield %while3A_261#1 : i32
      }
      %while3A_230 = arith.constant 1 : i32
      %while3A_231 = scf.for %while3A_250 = %while3A_227 to %while3A_223 step %while3A_230 iter_args(%while3A_251 = %while3A_229) -> (i32)  : i32 {
        %mul3A_252 = arith.constant 16 : i32
        %mul3A_253 = arith.muli %mul3A_252, %while3A_250 : i32
        %get3A = arith.index_cast %mul3A_253 : i32 to index
        %get3A_254 = tpu.vector_load %arg6[%get3A] {strides = array<i32>} : memref<20496xi32, #tpu.memory_space<vmem>>, vector<16xi32>,
        %ge3A = vector.broadcast %add3A_220 : i32 to vector<16xi32>
        %ge3A_255 = arith.cmpi sge, %get3A_254, %ge3A : vector<16xi32>
        %add3A_256 = arith.constant 512 : i32
        %add3A_257 = arith.addi %add3A_220, %add3A_256 : i32
        %lt3A_258 = vector.broadcast %add3A_257 : i32 to vector<16xi32>
        %lt3A_259 = arith.cmpi slt, %get3A_254, %lt3A_258 : vector<16xi32>
        %and3A_260 = arith.andi %ge3A_255, %lt3A_259 : vector<16xi1>
        %while3A_261:2 = scf.while (%while3A_262 = %and3A_260, %while3A_263 = %while3A_251) : (vector<16xi1>, i32) -> (vector<16xi1>, i32) {
          %all_reduce_population_count3A = tpu.all_reduce %while3A_262 {dim = 0 : i64, kind = #tpu.reduction_kind<sum>} : vector<16xi1> -> vector<16xi32>
          %slice3A = vector.extract_strided_slice %all_reduce_population_count3A {offsets = [0], sizes = [1], strides = [1]} : vector<16xi32> to vector<1xi32>
          %squeeze3A = vector.extract %slice3A[0] : i32 from vector<1xi32>
          %gt3A = arith.constant 0 : i32
          %gt3A_264 = arith.cmpi sgt, %squeeze3A, %gt3A : i32
          scf.condition(%gt3A_264) %while3A_262, %while3A_263 : vector<16xi1>, i32
        } do {
        ^bb0(%while3A_262: vector<16xi1>, %while3A_263: i32):
          %all_reduce_ffs3A = tpu.all_reduce %while3A_262 {dim = 0 : i64, kind = #tpu.reduction_kind<find_first_set>} : vector<16xi1> -> vector<16xi32>
          %slice3A = vector.extract_strided_slice %all_reduce_ffs3A {offsets = [0], sizes = [1], strides = [1]} : vector<16xi32> to vector<1xi32>
          %squeeze3A = vector.extract %slice3A[0] : i32 from vector<1xi32>
          %mul3A_264 = arith.constant 16 : i32
          %mul3A_265 = arith.muli %mul3A_264, %while3A_250 : i32
          %add3A_266 = arith.addi %mul3A_265, %squeeze3A : i32
          %broadcast_in_dim3A_267 = vector.broadcast %add3A_266 : i32 to vector<16xi32>
          %gather3A = tpu.vector_load_idx %arg6[%broadcast_in_dim3A_267] : memref<20496xi32, #tpu.memory_space<vmem>>[vector<16xi32>], vector<16xi32>,
          %slice3A_268 = vector.extract_strided_slice %gather3A {offsets = [0], sizes = [1], strides = [1]} : vector<16xi32> to vector<1xi32>
          %squeeze3A_269 = vector.extract %slice3A_268[0] : i32 from vector<1xi32>
          %broadcast_in_dim3A_270 = vector.broadcast %add3A_266 : i32 to vector<16xi32>
          %gather3A_271 = tpu.vector_load_idx %arg7[%broadcast_in_dim3A_270] : memref<20496xi32, #tpu.memory_space<vmem>>[vector<16xi32>], vector<16xi32>,
          %slice3A_272 = vector.extract_strided_slice %gather3A_271 {offsets = [0], sizes = [1], strides = [1]} : vector<16xi32> to vector<1xi32>
          %squeeze3A_273 = vector.extract %slice3A_272[0] : i32 from vector<1xi32>
          %sub3A_274 = arith.subi %squeeze3A_269, %add3A_220 : i32
          %broadcast_in_dim3A_275 = vector.broadcast %sub3A_274 : i32 to vector<16xi32>
          %rem3A_276 = arith.constant 16 : i32
          %rem3A_277 = arith.remsi %while3A_263, %rem3A_276 : i32
          %broadcast_in_dim3A_278 = vector.broadcast %rem3A_277 : i32 to vector<16xi32>
          %add3A_279 = arith.constant 64 : i32
          %add3A_280 = vector.broadcast %add3A_279 : i32 to vector<16xi32>
          %add3A_281 = arith.addi %add3A_280, %iota3A : vector<16xi32>
          %gather3A_282 = tpu.vector_load_idx %arg8[%add3A_281, %broadcast_in_dim3A_275] : memref<128x512xf32, #tpu.memory_space<vmem>>[vector<16xi32>, vector<16xi32>], vector<16xf32>,
          %add3A_283 = arith.constant 0 : i32
          %add3A_284 = vector.broadcast %add3A_283 : i32 to vector<16xi32>
          %add3A_285 = arith.addi %add3A_284, %iota3A : vector<16xi32>
          tpu.vector_store_idx %arg9[%broadcast_in_dim3A_278, %add3A_285], %gather3A_282 : memref<16x128xf32, #tpu.memory_space<vmem>>[vector<16xi32>, vector<16xi32>], vector<16xf32>,
          %add3A_286 = arith.constant 80 : i32
          %add3A_287 = vector.broadcast %add3A_286 : i32 to vector<16xi32>
          %add3A_288 = arith.addi %add3A_287, %iota3A : vector<16xi32>
          %gather3A_289 = tpu.vector_load_idx %arg8[%add3A_288, %broadcast_in_dim3A_275] : memref<128x512xf32, #tpu.memory_space<vmem>>[vector<16xi32>, vector<16xi32>], vector<16xf32>,
          %add3A_290 = arith.constant 16 : i32
          %add3A_291 = vector.broadcast %add3A_290 : i32 to vector<16xi32>
          %add3A_292 = arith.addi %add3A_291, %iota3A : vector<16xi32>
          tpu.vector_store_idx %arg9[%broadcast_in_dim3A_278, %add3A_292], %gather3A_289 : memref<16x128xf32, #tpu.memory_space<vmem>>[vector<16xi32>, vector<16xi32>], vector<16xf32>,
          %add3A_293 = arith.constant 96 : i32
          %add3A_294 = vector.broadcast %add3A_293 : i32 to vector<16xi32>
          %add3A_295 = arith.addi %add3A_294, %iota3A : vector<16xi32>
          %gather3A_296 = tpu.vector_load_idx %arg8[%add3A_295, %broadcast_in_dim3A_275] : memref<128x512xf32, #tpu.memory_space<vmem>>[vector<16xi32>, vector<16xi32>], vector<16xf32>,
          %add3A_297 = arith.constant 32 : i32
          %add3A_298 = vector.broadcast %add3A_297 : i32 to vector<16xi32>
          %add3A_299 = arith.addi %add3A_298, %iota3A : vector<16xi32>
          tpu.vector_store_idx %arg9[%broadcast_in_dim3A_278, %add3A_299], %gather3A_296 : memref<16x128xf32, #tpu.memory_space<vmem>>[vector<16xi32>, vector<16xi32>], vector<16xf32>,
          %add3A_300 = arith.constant 112 : i32
          %add3A_301 = vector.broadcast %add3A_300 : i32 to vector<16xi32>
          %add3A_302 = arith.addi %add3A_301, %iota3A : vector<16xi32>
          %gather3A_303 = tpu.vector_load_idx %arg8[%add3A_302, %broadcast_in_dim3A_275] : memref<128x512xf32, #tpu.memory_space<vmem>>[vector<16xi32>, vector<16xi32>], vector<16xf32>,
          %add3A_304 = arith.constant 48 : i32
          %add3A_305 = vector.broadcast %add3A_304 : i32 to vector<16xi32>
          %add3A_306 = arith.addi %add3A_305, %iota3A : vector<16xi32>
          tpu.vector_store_idx %arg9[%broadcast_in_dim3A_278, %add3A_306], %gather3A_303 : memref<16x128xf32, #tpu.memory_space<vmem>>[vector<16xi32>, vector<16xi32>], vector<16xf32>,
          %broadcast_in_dim3A_307 = vector.broadcast %squeeze3A_273 : i32 to vector<16xi32>
          %eq3A = arith.constant 0 : i32
          %eq3A_308 = vector.broadcast %eq3A : i32 to vector<16xi32>
          %eq3A_309 = arith.cmpi eq, %iota3A, %eq3A_308 : vector<16xi32>
          tpu.vector_store_idx %arg10[%broadcast_in_dim3A_278], %broadcast_in_dim3A_307 masked %eq3A_309 : memref<16xi32, #tpu.memory_space<vmem>>[vector<16xi32>], vector<16xi32>, vector<16xi1>
          %add3A_310 = arith.constant 1 : i32
          %add3A_311 = arith.addi %while3A_263, %add3A_310 : i32
          %rem3A_312 = arith.constant 16 : i32
          %rem3A_313 = arith.remsi %add3A_311, %rem3A_312 : i32
          %eq3A_314 = arith.constant 0 : i32
          %eq3A_315 = arith.cmpi eq, %rem3A_313, %eq3A_314 : i32
          %convert_element_type3A = arith.extui %eq3A_315 : i1 to i32
          %cond3A = arith.constant 0 : i32
          %cond3A_316 = arith.cmpi ne, %convert_element_type3A, %cond3A : i32
          scf.if %cond3A_316 {
            %dma_start3A_320 = arith.constant 0 : i32
            %dma_start3A_321 = arith.constant 0 : i32
            %dma_start3A_322 = tpu.memref_slice %arg4[%dma_start3A_320, %dma_start3A_321] : memref<24576x128xf32, #tpu.memory_space<hbm>> -> memref<24576x128xf32, #tpu.memory_space<hbm>>
            tpu.enqueue_indirect_dma source(%arg9 : memref<16x128xf32, #tpu.memory_space<vmem>>) target(%dma_start3A_322 : memref<24576x128xf32, #tpu.memory_space<hbm>>) offsets(%arg10 : memref<16xi32, #tpu.memory_space<vmem>>) semaphore(%arg13 : memref<!tpu.dma_semaphore, #tpu.memory_space<semaphore_mem>>)
            %dma_wait3A_323 = arith.constant 0 : i32
            %dma_wait3A_324 = arith.constant 0 : i32
            %dma_wait3A_325 = tpu.memref_slice %arg4[%dma_wait3A_323, %dma_wait3A_324] : memref<24576x128xf32, #tpu.memory_space<hbm>> -> memref<24576x128xf32, #tpu.memory_space<hbm>>
            tpu.wait_indirect_dma semaphore(%arg13 : memref<!tpu.dma_semaphore, #tpu.memory_space<semaphore_mem>>) src(%arg9 : memref<16x128xf32, #tpu.memory_space<vmem>>) dst(%dma_wait3A_325 : memref<24576x128xf32, #tpu.memory_space<hbm>>)
            %swap3A_326 = arith.constant 0 : index
            %swap3A_327 = tpu.vector_load %arg10[%swap3A_326] {strides = array<i32>} : memref<16xi32, #tpu.memory_space<vmem>>, vector<16xi32>,
            tpu.vector_store %arg10[%swap3A_326], %add3A_9 {strides = array<i32>} : memref<16xi32, #tpu.memory_space<vmem>>, vector<16xi32>,
          } else {
          }
          %ne3A_317 = vector.broadcast %squeeze3A : i32 to vector<16xi32>
          %ne3A_318 = arith.cmpi ne, %iota3A, %ne3A_317 : vector<16xi32>
          %and3A_319 = arith.andi %while3A_262, %ne3A_318 : vector<16xi1>
          scf.yield %and3A_319, %add3A_311 : vector<16xi1>, i32
        }
        scf.yield %while3A_261#1 : i32
      }
      %add3A_232 = arith.constant 3 : i32
      %add3A_233 = arith.addi %mul3A_159, %add3A_232 : i32
      %rem3A_234 = arith.constant 61 : i32
      %rem3A_235 = arith.remsi %add3A_233, %rem3A_234 : i32
      %mul3A_236 = arith.constant 512 : i32
      %mul3A_237 = arith.muli %rem3A_235, %mul3A_236 : i32
      %add3A_238 = arith.addi %mul3A_11, %mul3A_237 : i32
      %multiple_of3A_239 = tpu.assume_multiple %add3A_238, 128 : i32
      %dma_start3A_240 = arith.constant 64 : i32
      %dma_start3A_241 = arith.constant 0 : i32
      %dma_start3A_242 = tpu.memref_slice %arg8[%dma_start3A_240, %dma_start3A_241] : memref<128x512xf32, #tpu.memory_space<vmem>> -> memref<64x512xf32, #tpu.memory_space<vmem>>
      %dma_start3A_243 = arith.constant 0 : i32
      %dma_start3A_244 = tpu.memref_slice %arg3[%dma_start3A_243, %multiple_of3A_239] : memref<64x1000000xf32, #tpu.memory_space<hbm>> -> memref<64x512xf32, #tpu.memory_space<hbm>>
      %dma_start3A_245 = arith.constant 64 : i32
      %dma_start3A_246 = arith.constant 0 : i32
      %dma_start3A_247 = tpu.memref_slice %arg8[%dma_start3A_245, %dma_start3A_246] : memref<128x512xf32, #tpu.memory_space<vmem>> -> memref<64x512xf32, #tpu.memory_space<vmem>>
      %dma_start3A_248 = arith.constant 0 : i32
      %dma_start3A_249 = tpu.memref_slice %arg3[%dma_start3A_248, %multiple_of3A_239] : memref<64x1000000xf32, #tpu.memory_space<hbm>> -> memref<64x512xf32, #tpu.memory_space<hbm>>
      tpu.enqueue_dma source(%dma_start3A_249 : memref<64x512xf32, #tpu.memory_space<hbm>>) target(%dma_start3A_247 : memref<64x512xf32, #tpu.memory_space<vmem>>) target_semaphore(%arg12 : memref<!tpu.dma_semaphore, #tpu.memory_space<semaphore_mem>>)
      scf.yield %while3A_231 : i32
    }
    %scan3A_93 = arith.constant 30 : i32
    %dma_wait3A = arith.constant 0 : i32
    %dma_wait3A_94 = arith.constant 0 : i32
    %dma_wait3A_95 = tpu.memref_slice %arg8[%dma_wait3A, %dma_wait3A_94] : memref<128x512xf32, #tpu.memory_space<vmem>> -> memref<64x512xf32, #tpu.memory_space<vmem>>
    %dma_wait3A_96 = arith.constant 0 : i32
    %dma_wait3A_97 = arith.constant 0 : i32
    %dma_wait3A_98 = tpu.memref_slice %arg3[%dma_wait3A_96, %dma_wait3A_97] : memref<64x1000000xf32, #tpu.memory_space<hbm>> -> memref<64x512xf32, #tpu.memory_space<hbm>>
    %dma_wait3A_99 = arith.constant 0 : i32
    %dma_wait3A_100 = arith.constant 0 : i32
    %dma_wait3A_101 = tpu.memref_slice %arg8[%dma_wait3A_99, %dma_wait3A_100] : memref<128x512xf32, #tpu.memory_space<vmem>> -> memref<64x512xf32, #tpu.memory_space<vmem>>
    %dma_wait3A_102 = arith.constant 0 : i32
    %dma_wait3A_103 = arith.constant 0 : i32
    %dma_wait3A_104 = tpu.memref_slice %arg3[%dma_wait3A_102, %dma_wait3A_103] : memref<64x1000000xf32, #tpu.memory_space<hbm>> -> memref<64x512xf32, #tpu.memory_space<hbm>>
    tpu.wait_dma2 semaphore(%arg11 : memref<!tpu.dma_semaphore, #tpu.memory_space<semaphore_mem>>) src(%dma_wait3A_104 : memref<64x512xf32, #tpu.memory_space<hbm>>) dst(%dma_wait3A_101 : memref<64x512xf32, #tpu.memory_space<vmem>>)
    %dma_wait3A_105 = arith.constant 0 : i32
    %dma_wait3A_106 = arith.constant 0 : i32
    %dma_wait3A_107 = tpu.memref_slice %arg8[%dma_wait3A_105, %dma_wait3A_106] : memref<128x512xf32, #tpu.memory_space<vmem>> -> memref<64x512xf32, #tpu.memory_space<vmem>>
    %dma_wait3A_108 = arith.constant 0 : i32
    %dma_wait3A_109 = arith.constant 0 : i32
    %dma_wait3A_110 = tpu.memref_slice %arg3[%dma_wait3A_108, %dma_wait3A_109] : memref<64x1000000xf32, #tpu.memory_space<hbm>> -> memref<64x512xf32, #tpu.memory_space<hbm>>
    %dma_wait3A_111 = arith.constant 0 : i32
    %dma_wait3A_112 = arith.constant 0 : i32
    %dma_wait3A_113 = tpu.memref_slice %arg8[%dma_wait3A_111, %dma_wait3A_112] : memref<128x512xf32, #tpu.memory_space<vmem>> -> memref<64x512xf32, #tpu.memory_space<vmem>>
    %dma_wait3A_114 = arith.constant 0 : i32
    %dma_wait3A_115 = arith.constant 0 : i32
    %dma_wait3A_116 = tpu.memref_slice %arg3[%dma_wait3A_114, %dma_wait3A_115] : memref<64x1000000xf32, #tpu.memory_space<hbm>> -> memref<64x512xf32, #tpu.memory_space<hbm>>
    tpu.wait_dma2 semaphore(%arg12 : memref<!tpu.dma_semaphore, #tpu.memory_space<semaphore_mem>>) src(%dma_wait3A_116 : memref<64x512xf32, #tpu.memory_space<hbm>>) dst(%dma_wait3A_113 : memref<64x512xf32, #tpu.memory_space<vmem>>)
    %add3A_117 = arith.constant 30720 : i32
    %add3A_118 = arith.addi %mul3A_11, %add3A_117 : i32
    %multiple_of3A_119 = tpu.assume_multiple %add3A_118, 128 : i32
    "tpu.region"() ({
      %run_scoped3A = tpu.sem_alloc : memref<!tpu.dma_semaphore, #tpu.memory_space<semaphore_mem>>
      %dma_start3A_156 = arith.constant 0 : i32
      %dma_start3A_157 = arith.constant 0 : i32
      %dma_start3A_158 = tpu.memref_slice %arg8[%dma_start3A_156, %dma_start3A_157] : memref<128x512xf32, #tpu.memory_space<vmem>> -> memref<64x512xf32, #tpu.memory_space<vmem>>
      %dma_start3A_159 = arith.constant 0 : i32
      %dma_start3A_160 = tpu.memref_slice %arg3[%dma_start3A_159, %multiple_of3A_119] : memref<64x1000000xf32, #tpu.memory_space<hbm>> -> memref<64x512xf32, #tpu.memory_space<hbm>>
      %dma_start3A_161 = arith.constant 0 : i32
      %dma_start3A_162 = arith.constant 0 : i32
      %dma_start3A_163 = tpu.memref_slice %arg8[%dma_start3A_161, %dma_start3A_162] : memref<128x512xf32, #tpu.memory_space<vmem>> -> memref<64x512xf32, #tpu.memory_space<vmem>>
      %dma_start3A_164 = arith.constant 0 : i32
      %dma_start3A_165 = tpu.memref_slice %arg3[%dma_start3A_164, %multiple_of3A_119] : memref<64x1000000xf32, #tpu.memory_space<hbm>> -> memref<64x512xf32, #tpu.memory_space<hbm>>
      tpu.enqueue_dma source(%dma_start3A_165 : memref<64x512xf32, #tpu.memory_space<hbm>>) target(%dma_start3A_163 : memref<64x512xf32, #tpu.memory_space<vmem>>) target_semaphore(%run_scoped3A : memref<!tpu.dma_semaphore, #tpu.memory_space<semaphore_mem>>)
      %dma_wait3A_166 = arith.constant 0 : i32
      %dma_wait3A_167 = arith.constant 0 : i32
      %dma_wait3A_168 = tpu.memref_slice %arg8[%dma_wait3A_166, %dma_wait3A_167] : memref<128x512xf32, #tpu.memory_space<vmem>> -> memref<64x512xf32, #tpu.memory_space<vmem>>
      %dma_wait3A_169 = arith.constant 0 : i32
      %dma_wait3A_170 = tpu.memref_slice %arg3[%dma_wait3A_169, %multiple_of3A_119] : memref<64x1000000xf32, #tpu.memory_space<hbm>> -> memref<64x512xf32, #tpu.memory_space<hbm>>
      %dma_wait3A_171 = arith.constant 0 : i32
      %dma_wait3A_172 = arith.constant 0 : i32
      %dma_wait3A_173 = tpu.memref_slice %arg8[%dma_wait3A_171, %dma_wait3A_172] : memref<128x512xf32, #tpu.memory_space<vmem>> -> memref<64x512xf32, #tpu.memory_space<vmem>>
      %dma_wait3A_174 = arith.constant 0 : i32
      %dma_wait3A_175 = tpu.memref_slice %arg3[%dma_wait3A_174, %multiple_of3A_119] : memref<64x1000000xf32, #tpu.memory_space<hbm>> -> memref<64x512xf32, #tpu.memory_space<hbm>>
      tpu.wait_dma2 semaphore(%run_scoped3A : memref<!tpu.dma_semaphore, #tpu.memory_space<semaphore_mem>>) src(%dma_wait3A_175 : memref<64x512xf32, #tpu.memory_space<hbm>>) dst(%dma_wait3A_173 : memref<64x512xf32, #tpu.memory_space<vmem>>)
      tpu.yield
    }) : () -> ()
    %add3A_120 = arith.constant 30720 : i32
    %add3A_121 = arith.addi %mul3A_11, %add3A_120 : i32
    %while3A = arith.constant 0 : i32
    %while3A_122 = arith.subi %select_n3A_86, %while3A : i32
    %while3A_123 = arith.addi %while3A, %while3A_122 : i32
    %while3A_124 = arith.constant 1 : i32
    %while3A_125 = arith.divsi %while3A_122, %while3A_124 : i32
    %while3A_126 = arith.muli %while3A_125, %while3A_124 : i32
    %while3A_127 = arith.addi %while3A, %while3A_126 : i32
    %while3A_128 = arith.constant 1 : i32
    %while3A_129 = scf.for %while3A_156 = %while3A to %while3A_127 step %while3A_128 iter_args(%while3A_157 = %scan3A_92) -> (i32)  : i32 {
      %mul3A_158 = arith.constant 16 : i32
      %mul3A_159 = arith.muli %mul3A_158, %while3A_156 : i32
      %get3A = arith.index_cast %mul3A_159 : i32 to index
      %get3A_160 = tpu.vector_load %arg6[%get3A] {strides = array<i32>} : memref<20496xi32, #tpu.memory_space<vmem>>, vector<16xi32>,
      %ge3A = vector.broadcast %add3A_121 : i32 to vector<16xi32>
      %ge3A_161 = arith.cmpi sge, %get3A_160, %ge3A : vector<16xi32>
      %add3A_162 = arith.constant 512 : i32
      %add3A_163 = arith.addi %add3A_121, %add3A_162 : i32
      %lt3A_164 = vector.broadcast %add3A_163 : i32 to vector<16xi32>
      %lt3A_165 = arith.cmpi slt, %get3A_160, %lt3A_164 : vector<16xi32>
      %and3A_166 = arith.andi %ge3A_161, %lt3A_165 : vector<16xi1>
      %while3A_167:2 = scf.while (%while3A_168 = %and3A_166, %while3A_169 = %while3A_157) : (vector<16xi1>, i32) -> (vector<16xi1>, i32) {
        %all_reduce_population_count3A = tpu.all_reduce %while3A_168 {dim = 0 : i64, kind = #tpu.reduction_kind<sum>} : vector<16xi1> -> vector<16xi32>
        %slice3A = vector.extract_strided_slice %all_reduce_population_count3A {offsets = [0], sizes = [1], strides = [1]} : vector<16xi32> to vector<1xi32>
        %squeeze3A = vector.extract %slice3A[0] : i32 from vector<1xi32>
        %gt3A = arith.constant 0 : i32
        %gt3A_170 = arith.cmpi sgt, %squeeze3A, %gt3A : i32
        scf.condition(%gt3A_170) %while3A_168, %while3A_169 : vector<16xi1>, i32
      } do {
      ^bb0(%while3A_168: vector<16xi1>, %while3A_169: i32):
        %all_reduce_ffs3A = tpu.all_reduce %while3A_168 {dim = 0 : i64, kind = #tpu.reduction_kind<find_first_set>} : vector<16xi1> -> vector<16xi32>
        %slice3A = vector.extract_strided_slice %all_reduce_ffs3A {offsets = [0], sizes = [1], strides = [1]} : vector<16xi32> to vector<1xi32>
        %squeeze3A = vector.extract %slice3A[0] : i32 from vector<1xi32>
        %mul3A_170 = arith.constant 16 : i32
        %mul3A_171 = arith.muli %mul3A_170, %while3A_156 : i32
        %add3A_172 = arith.addi %mul3A_171, %squeeze3A : i32
        %broadcast_in_dim3A_173 = vector.broadcast %add3A_172 : i32 to vector<16xi32>
        %gather3A = tpu.vector_load_idx %arg6[%broadcast_in_dim3A_173] : memref<20496xi32, #tpu.memory_space<vmem>>[vector<16xi32>], vector<16xi32>,
        %slice3A_174 = vector.extract_strided_slice %gather3A {offsets = [0], sizes = [1], strides = [1]} : vector<16xi32> to vector<1xi32>
        %squeeze3A_175 = vector.extract %slice3A_174[0] : i32 from vector<1xi32>
        %broadcast_in_dim3A_176 = vector.broadcast %add3A_172 : i32 to vector<16xi32>
        %gather3A_177 = tpu.vector_load_idx %arg7[%broadcast_in_dim3A_176] : memref<20496xi32, #tpu.memory_space<vmem>>[vector<16xi32>], vector<16xi32>,
        %slice3A_178 = vector.extract_strided_slice %gather3A_177 {offsets = [0], sizes = [1], strides = [1]} : vector<16xi32> to vector<1xi32>
        %squeeze3A_179 = vector.extract %slice3A_178[0] : i32 from vector<1xi32>
        %sub3A_180 = arith.subi %squeeze3A_175, %add3A_121 : i32
        %broadcast_in_dim3A_181 = vector.broadcast %sub3A_180 : i32 to vector<16xi32>
        %rem3A_182 = arith.constant 16 : i32
        %rem3A_183 = arith.remsi %while3A_169, %rem3A_182 : i32
        %broadcast_in_dim3A_184 = vector.broadcast %rem3A_183 : i32 to vector<16xi32>
        %add3A_185 = arith.constant 0 : i32
        %add3A_186 = vector.broadcast %add3A_185 : i32 to vector<16xi32>
        %add3A_187 = arith.addi %add3A_186, %iota3A : vector<16xi32>
        %gather3A_188 = tpu.vector_load_idx %arg8[%add3A_187, %broadcast_in_dim3A_181] : memref<128x512xf32, #tpu.memory_space<vmem>>[vector<16xi32>, vector<16xi32>], vector<16xf32>,
        %add3A_189 = arith.constant 0 : i32
        %add3A_190 = vector.broadcast %add3A_189 : i32 to vector<16xi32>
        %add3A_191 = arith.addi %add3A_190, %iota3A : vector<16xi32>
        tpu.vector_store_idx %arg9[%broadcast_in_dim3A_184, %add3A_191], %gather3A_188 : memref<16x128xf32, #tpu.memory_space<vmem>>[vector<16xi32>, vector<16xi32>], vector<16xf32>,
        %add3A_192 = arith.constant 16 : i32
        %add3A_193 = vector.broadcast %add3A_192 : i32 to vector<16xi32>
        %add3A_194 = arith.addi %add3A_193, %iota3A : vector<16xi32>
        %gather3A_195 = tpu.vector_load_idx %arg8[%add3A_194, %broadcast_in_dim3A_181] : memref<128x512xf32, #tpu.memory_space<vmem>>[vector<16xi32>, vector<16xi32>], vector<16xf32>,
        %add3A_196 = arith.constant 16 : i32
        %add3A_197 = vector.broadcast %add3A_196 : i32 to vector<16xi32>
        %add3A_198 = arith.addi %add3A_197, %iota3A : vector<16xi32>
        tpu.vector_store_idx %arg9[%broadcast_in_dim3A_184, %add3A_198], %gather3A_195 : memref<16x128xf32, #tpu.memory_space<vmem>>[vector<16xi32>, vector<16xi32>], vector<16xf32>,
        %add3A_199 = arith.constant 32 : i32
        %add3A_200 = vector.broadcast %add3A_199 : i32 to vector<16xi32>
        %add3A_201 = arith.addi %add3A_200, %iota3A : vector<16xi32>
        %gather3A_202 = tpu.vector_load_idx %arg8[%add3A_201, %broadcast_in_dim3A_181] : memref<128x512xf32, #tpu.memory_space<vmem>>[vector<16xi32>, vector<16xi32>], vector<16xf32>,
        %add3A_203 = arith.constant 32 : i32
        %add3A_204 = vector.broadcast %add3A_203 : i32 to vector<16xi32>
        %add3A_205 = arith.addi %add3A_204, %iota3A : vector<16xi32>
        tpu.vector_store_idx %arg9[%broadcast_in_dim3A_184, %add3A_205], %gather3A_202 : memref<16x128xf32, #tpu.memory_space<vmem>>[vector<16xi32>, vector<16xi32>], vector<16xf32>,
        %add3A_206 = arith.constant 48 : i32
        %add3A_207 = vector.broadcast %add3A_206 : i32 to vector<16xi32>
        %add3A_208 = arith.addi %add3A_207, %iota3A : vector<16xi32>
        %gather3A_209 = tpu.vector_load_idx %arg8[%add3A_208, %broadcast_in_dim3A_181] : memref<128x512xf32, #tpu.memory_space<vmem>>[vector<16xi32>, vector<16xi32>], vector<16xf32>,
        %add3A_210 = arith.constant 48 : i32
        %add3A_211 = vector.broadcast %add3A_210 : i32 to vector<16xi32>
        %add3A_212 = arith.addi %add3A_211, %iota3A : vector<16xi32>
        tpu.vector_store_idx %arg9[%broadcast_in_dim3A_184, %add3A_212], %gather3A_209 : memref<16x128xf32, #tpu.memory_space<vmem>>[vector<16xi32>, vector<16xi32>], vector<16xf32>,
        %broadcast_in_dim3A_213 = vector.broadcast %squeeze3A_179 : i32 to vector<16xi32>
        %eq3A = arith.constant 0 : i32
        %eq3A_214 = vector.broadcast %eq3A : i32 to vector<16xi32>
        %eq3A_215 = arith.cmpi eq, %iota3A, %eq3A_214 : vector<16xi32>
        tpu.vector_store_idx %arg10[%broadcast_in_dim3A_184], %broadcast_in_dim3A_213 masked %eq3A_215 : memref<16xi32, #tpu.memory_space<vmem>>[vector<16xi32>], vector<16xi32>, vector<16xi1>
        %add3A_216 = arith.constant 1 : i32
        %add3A_217 = arith.addi %while3A_169, %add3A_216 : i32
        %rem3A_218 = arith.constant 16 : i32
        %rem3A_219 = arith.remsi %add3A_217, %rem3A_218 : i32
        %eq3A_220 = arith.constant 0 : i32
        %eq3A_221 = arith.cmpi eq, %rem3A_219, %eq3A_220 : i32
        %convert_element_type3A = arith.extui %eq3A_221 : i1 to i32
        %cond3A = arith.constant 0 : i32
        %cond3A_222 = arith.cmpi ne, %convert_element_type3A, %cond3A : i32
        scf.if %cond3A_222 {
          %dma_start3A_226 = arith.constant 0 : i32
          %dma_start3A_227 = arith.constant 0 : i32
          %dma_start3A_228 = tpu.memref_slice %arg4[%dma_start3A_226, %dma_start3A_227] : memref<24576x128xf32, #tpu.memory_space<hbm>> -> memref<24576x128xf32, #tpu.memory_space<hbm>>
          tpu.enqueue_indirect_dma source(%arg9 : memref<16x128xf32, #tpu.memory_space<vmem>>) target(%dma_start3A_228 : memref<24576x128xf32, #tpu.memory_space<hbm>>) offsets(%arg10 : memref<16xi32, #tpu.memory_space<vmem>>) semaphore(%arg13 : memref<!tpu.dma_semaphore, #tpu.memory_space<semaphore_mem>>)
          %dma_wait3A_229 = arith.constant 0 : i32
          %dma_wait3A_230 = arith.constant 0 : i32
          %dma_wait3A_231 = tpu.memref_slice %arg4[%dma_wait3A_229, %dma_wait3A_230] : memref<24576x128xf32, #tpu.memory_space<hbm>> -> memref<24576x128xf32, #tpu.memory_space<hbm>>
          tpu.wait_indirect_dma semaphore(%arg13 : memref<!tpu.dma_semaphore, #tpu.memory_space<semaphore_mem>>) src(%arg9 : memref<16x128xf32, #tpu.memory_space<vmem>>) dst(%dma_wait3A_231 : memref<24576x128xf32, #tpu.memory_space<hbm>>)
          %swap3A_232 = arith.constant 0 : index
          %swap3A_233 = tpu.vector_load %arg10[%swap3A_232] {strides = array<i32>} : memref<16xi32, #tpu.memory_space<vmem>>, vector<16xi32>,
          tpu.vector_store %arg10[%swap3A_232], %add3A_9 {strides = array<i32>} : memref<16xi32, #tpu.memory_space<vmem>>, vector<16xi32>,
        } else {
        }
        %ne3A_223 = vector.broadcast %squeeze3A : i32 to vector<16xi32>
        %ne3A_224 = arith.cmpi ne, %iota3A, %ne3A_223 : vector<16xi32>
        %and3A_225 = arith.andi %while3A_168, %ne3A_224 : vector<16xi1>
        scf.yield %and3A_225, %add3A_217 : vector<16xi1>, i32
      }
      scf.yield %while3A_167#1 : i32
    }
    %while3A_130 = arith.constant 1 : i32
    %while3A_131 = scf.for %while3A_156 = %while3A_127 to %while3A_123 step %while3A_130 iter_args(%while3A_157 = %while3A_129) -> (i32)  : i32 {
      %mul3A_158 = arith.constant 16 : i32
      %mul3A_159 = arith.muli %mul3A_158, %while3A_156 : i32
      %get3A = arith.index_cast %mul3A_159 : i32 to index
      %get3A_160 = tpu.vector_load %arg6[%get3A] {strides = array<i32>} : memref<20496xi32, #tpu.memory_space<vmem>>, vector<16xi32>,
      %ge3A = vector.broadcast %add3A_121 : i32 to vector<16xi32>
      %ge3A_161 = arith.cmpi sge, %get3A_160, %ge3A : vector<16xi32>
      %add3A_162 = arith.constant 512 : i32
      %add3A_163 = arith.addi %add3A_121, %add3A_162 : i32
      %lt3A_164 = vector.broadcast %add3A_163 : i32 to vector<16xi32>
      %lt3A_165 = arith.cmpi slt, %get3A_160, %lt3A_164 : vector<16xi32>
      %and3A_166 = arith.andi %ge3A_161, %lt3A_165 : vector<16xi1>
      %while3A_167:2 = scf.while (%while3A_168 = %and3A_166, %while3A_169 = %while3A_157) : (vector<16xi1>, i32) -> (vector<16xi1>, i32) {
        %all_reduce_population_count3A = tpu.all_reduce %while3A_168 {dim = 0 : i64, kind = #tpu.reduction_kind<sum>} : vector<16xi1> -> vector<16xi32>
        %slice3A = vector.extract_strided_slice %all_reduce_population_count3A {offsets = [0], sizes = [1], strides = [1]} : vector<16xi32> to vector<1xi32>
        %squeeze3A = vector.extract %slice3A[0] : i32 from vector<1xi32>
        %gt3A = arith.constant 0 : i32
        %gt3A_170 = arith.cmpi sgt, %squeeze3A, %gt3A : i32
        scf.condition(%gt3A_170) %while3A_168, %while3A_169 : vector<16xi1>, i32
      } do {
      ^bb0(%while3A_168: vector<16xi1>, %while3A_169: i32):
        %all_reduce_ffs3A = tpu.all_reduce %while3A_168 {dim = 0 : i64, kind = #tpu.reduction_kind<find_first_set>} : vector<16xi1> -> vector<16xi32>
        %slice3A = vector.extract_strided_slice %all_reduce_ffs3A {offsets = [0], sizes = [1], strides = [1]} : vector<16xi32> to vector<1xi32>
        %squeeze3A = vector.extract %slice3A[0] : i32 from vector<1xi32>
        %mul3A_170 = arith.constant 16 : i32
        %mul3A_171 = arith.muli %mul3A_170, %while3A_156 : i32
        %add3A_172 = arith.addi %mul3A_171, %squeeze3A : i32
        %broadcast_in_dim3A_173 = vector.broadcast %add3A_172 : i32 to vector<16xi32>
        %gather3A = tpu.vector_load_idx %arg6[%broadcast_in_dim3A_173] : memref<20496xi32, #tpu.memory_space<vmem>>[vector<16xi32>], vector<16xi32>,
        %slice3A_174 = vector.extract_strided_slice %gather3A {offsets = [0], sizes = [1], strides = [1]} : vector<16xi32> to vector<1xi32>
        %squeeze3A_175 = vector.extract %slice3A_174[0] : i32 from vector<1xi32>
        %broadcast_in_dim3A_176 = vector.broadcast %add3A_172 : i32 to vector<16xi32>
        %gather3A_177 = tpu.vector_load_idx %arg7[%broadcast_in_dim3A_176] : memref<20496xi32, #tpu.memory_space<vmem>>[vector<16xi32>], vector<16xi32>,
        %slice3A_178 = vector.extract_strided_slice %gather3A_177 {offsets = [0], sizes = [1], strides = [1]} : vector<16xi32> to vector<1xi32>
        %squeeze3A_179 = vector.extract %slice3A_178[0] : i32 from vector<1xi32>
        %sub3A_180 = arith.subi %squeeze3A_175, %add3A_121 : i32
        %broadcast_in_dim3A_181 = vector.broadcast %sub3A_180 : i32 to vector<16xi32>
        %rem3A_182 = arith.constant 16 : i32
        %rem3A_183 = arith.remsi %while3A_169, %rem3A_182 : i32
        %broadcast_in_dim3A_184 = vector.broadcast %rem3A_183 : i32 to vector<16xi32>
        %add3A_185 = arith.constant 0 : i32
        %add3A_186 = vector.broadcast %add3A_185 : i32 to vector<16xi32>
        %add3A_187 = arith.addi %add3A_186, %iota3A : vector<16xi32>
        %gather3A_188 = tpu.vector_load_idx %arg8[%add3A_187, %broadcast_in_dim3A_181] : memref<128x512xf32, #tpu.memory_space<vmem>>[vector<16xi32>, vector<16xi32>], vector<16xf32>,
        %add3A_189 = arith.constant 0 : i32
        %add3A_190 = vector.broadcast %add3A_189 : i32 to vector<16xi32>
        %add3A_191 = arith.addi %add3A_190, %iota3A : vector<16xi32>
        tpu.vector_store_idx %arg9[%broadcast_in_dim3A_184, %add3A_191], %gather3A_188 : memref<16x128xf32, #tpu.memory_space<vmem>>[vector<16xi32>, vector<16xi32>], vector<16xf32>,
        %add3A_192 = arith.constant 16 : i32
        %add3A_193 = vector.broadcast %add3A_192 : i32 to vector<16xi32>
        %add3A_194 = arith.addi %add3A_193, %iota3A : vector<16xi32>
        %gather3A_195 = tpu.vector_load_idx %arg8[%add3A_194, %broadcast_in_dim3A_181] : memref<128x512xf32, #tpu.memory_space<vmem>>[vector<16xi32>, vector<16xi32>], vector<16xf32>,
        %add3A_196 = arith.constant 16 : i32
        %add3A_197 = vector.broadcast %add3A_196 : i32 to vector<16xi32>
        %add3A_198 = arith.addi %add3A_197, %iota3A : vector<16xi32>
        tpu.vector_store_idx %arg9[%broadcast_in_dim3A_184, %add3A_198], %gather3A_195 : memref<16x128xf32, #tpu.memory_space<vmem>>[vector<16xi32>, vector<16xi32>], vector<16xf32>,
        %add3A_199 = arith.constant 32 : i32
        %add3A_200 = vector.broadcast %add3A_199 : i32 to vector<16xi32>
        %add3A_201 = arith.addi %add3A_200, %iota3A : vector<16xi32>
        %gather3A_202 = tpu.vector_load_idx %arg8[%add3A_201, %broadcast_in_dim3A_181] : memref<128x512xf32, #tpu.memory_space<vmem>>[vector<16xi32>, vector<16xi32>], vector<16xf32>,
        %add3A_203 = arith.constant 32 : i32
        %add3A_204 = vector.broadcast %add3A_203 : i32 to vector<16xi32>
        %add3A_205 = arith.addi %add3A_204, %iota3A : vector<16xi32>
        tpu.vector_store_idx %arg9[%broadcast_in_dim3A_184, %add3A_205], %gather3A_202 : memref<16x128xf32, #tpu.memory_space<vmem>>[vector<16xi32>, vector<16xi32>], vector<16xf32>,
        %add3A_206 = arith.constant 48 : i32
        %add3A_207 = vector.broadcast %add3A_206 : i32 to vector<16xi32>
        %add3A_208 = arith.addi %add3A_207, %iota3A : vector<16xi32>
        %gather3A_209 = tpu.vector_load_idx %arg8[%add3A_208, %broadcast_in_dim3A_181] : memref<128x512xf32, #tpu.memory_space<vmem>>[vector<16xi32>, vector<16xi32>], vector<16xf32>,
        %add3A_210 = arith.constant 48 : i32
        %add3A_211 = vector.broadcast %add3A_210 : i32 to vector<16xi32>
        %add3A_212 = arith.addi %add3A_211, %iota3A : vector<16xi32>
        tpu.vector_store_idx %arg9[%broadcast_in_dim3A_184, %add3A_212], %gather3A_209 : memref<16x128xf32, #tpu.memory_space<vmem>>[vector<16xi32>, vector<16xi32>], vector<16xf32>,
        %broadcast_in_dim3A_213 = vector.broadcast %squeeze3A_179 : i32 to vector<16xi32>
        %eq3A = arith.constant 0 : i32
        %eq3A_214 = vector.broadcast %eq3A : i32 to vector<16xi32>
        %eq3A_215 = arith.cmpi eq, %iota3A, %eq3A_214 : vector<16xi32>
        tpu.vector_store_idx %arg10[%broadcast_in_dim3A_184], %broadcast_in_dim3A_213 masked %eq3A_215 : memref<16xi32, #tpu.memory_space<vmem>>[vector<16xi32>], vector<16xi32>, vector<16xi1>
        %add3A_216 = arith.constant 1 : i32
        %add3A_217 = arith.addi %while3A_169, %add3A_216 : i32
        %rem3A_218 = arith.constant 16 : i32
        %rem3A_219 = arith.remsi %add3A_217, %rem3A_218 : i32
        %eq3A_220 = arith.constant 0 : i32
        %eq3A_221 = arith.cmpi eq, %rem3A_219, %eq3A_220 : i32
        %convert_element_type3A = arith.extui %eq3A_221 : i1 to i32
        %cond3A = arith.constant 0 : i32
        %cond3A_222 = arith.cmpi ne, %convert_element_type3A, %cond3A : i32
        scf.if %cond3A_222 {
          %dma_start3A_226 = arith.constant 0 : i32
          %dma_start3A_227 = arith.constant 0 : i32
          %dma_start3A_228 = tpu.memref_slice %arg4[%dma_start3A_226, %dma_start3A_227] : memref<24576x128xf32, #tpu.memory_space<hbm>> -> memref<24576x128xf32, #tpu.memory_space<hbm>>
          tpu.enqueue_indirect_dma source(%arg9 : memref<16x128xf32, #tpu.memory_space<vmem>>) target(%dma_start3A_228 : memref<24576x128xf32, #tpu.memory_space<hbm>>) offsets(%arg10 : memref<16xi32, #tpu.memory_space<vmem>>) semaphore(%arg13 : memref<!tpu.dma_semaphore, #tpu.memory_space<semaphore_mem>>)
          %dma_wait3A_229 = arith.constant 0 : i32
          %dma_wait3A_230 = arith.constant 0 : i32
          %dma_wait3A_231 = tpu.memref_slice %arg4[%dma_wait3A_229, %dma_wait3A_230] : memref<24576x128xf32, #tpu.memory_space<hbm>> -> memref<24576x128xf32, #tpu.memory_space<hbm>>
          tpu.wait_indirect_dma semaphore(%arg13 : memref<!tpu.dma_semaphore, #tpu.memory_space<semaphore_mem>>) src(%arg9 : memref<16x128xf32, #tpu.memory_space<vmem>>) dst(%dma_wait3A_231 : memref<24576x128xf32, #tpu.memory_space<hbm>>)
          %swap3A_232 = arith.constant 0 : index
          %swap3A_233 = tpu.vector_load %arg10[%swap3A_232] {strides = array<i32>} : memref<16xi32, #tpu.memory_space<vmem>>, vector<16xi32>,
          tpu.vector_store %arg10[%swap3A_232], %add3A_9 {strides = array<i32>} : memref<16xi32, #tpu.memory_space<vmem>>, vector<16xi32>,
        } else {
        }
        %ne3A_223 = vector.broadcast %squeeze3A : i32 to vector<16xi32>
        %ne3A_224 = arith.cmpi ne, %iota3A, %ne3A_223 : vector<16xi32>
        %and3A_225 = arith.andi %while3A_168, %ne3A_224 : vector<16xi1>
        scf.yield %and3A_225, %add3A_217 : vector<16xi1>, i32
      }
      scf.yield %while3A_167#1 : i32
    }
    %lt3A_132 = arith.constant 5 : i32
    %lt3A_133 = arith.cmpi slt, %add3A, %lt3A_132 : i32
    %jit3A_134 = arith.constant 1 : i32
    %jit3A_135 = arith.constant 0 : i32
    %select_n3A_136 = arith.select %lt3A_133, %jit3A_134, %jit3A_135 : i32
    %while3A_137 = arith.constant 0 : i32
    %while3A_138 = arith.subi %select_n3A_136, %while3A_137 : i32
    %while3A_139 = arith.addi %while3A_137, %while3A_138 : i32
    %while3A_140 = arith.constant 1 : i32
    %while3A_141 = arith.divsi %while3A_138, %while3A_140 : i32
    %while3A_142 = arith.muli %while3A_141, %while3A_140 : i32
    %while3A_143 = arith.addi %while3A_137, %while3A_142 : i32
    %while3A_144 = arith.constant 1 : i32
    %while3A_145 = scf.for %while3A_156 = %while3A_137 to %while3A_143 step %while3A_144 iter_args(%while3A_157 = %while3A_131) -> (i32)  : i32 {
      %multiple_of3A_158 = tpu.assume_multiple %select_n3A, 128 : i32
      "tpu.region"() ({
        %run_scoped3A = tpu.sem_alloc : memref<!tpu.dma_semaphore, #tpu.memory_space<semaphore_mem>>
        %dma_start3A_170 = arith.constant 0 : i32
        %dma_start3A_171 = arith.constant 0 : i32
        %dma_start3A_172 = tpu.memref_slice %arg8[%dma_start3A_170, %dma_start3A_171] : memref<128x512xf32, #tpu.memory_space<vmem>> -> memref<64x128xf32, #tpu.memory_space<vmem>>
        %dma_start3A_173 = arith.constant 0 : i32
        %dma_start3A_174 = tpu.memref_slice %arg3[%dma_start3A_173, %multiple_of3A_158] : memref<64x1000000xf32, #tpu.memory_space<hbm>> -> memref<64x128xf32, #tpu.memory_space<hbm>>
        %dma_start3A_175 = arith.constant 0 : i32
        %dma_start3A_176 = arith.constant 0 : i32
        %dma_start3A_177 = tpu.memref_slice %arg8[%dma_start3A_175, %dma_start3A_176] : memref<128x512xf32, #tpu.memory_space<vmem>> -> memref<64x128xf32, #tpu.memory_space<vmem>>
        %dma_start3A_178 = arith.constant 0 : i32
        %dma_start3A_179 = tpu.memref_slice %arg3[%dma_start3A_178, %multiple_of3A_158] : memref<64x1000000xf32, #tpu.memory_space<hbm>> -> memref<64x128xf32, #tpu.memory_space<hbm>>
        tpu.enqueue_dma source(%dma_start3A_179 : memref<64x128xf32, #tpu.memory_space<hbm>>) target(%dma_start3A_177 : memref<64x128xf32, #tpu.memory_space<vmem>>) target_semaphore(%run_scoped3A : memref<!tpu.dma_semaphore, #tpu.memory_space<semaphore_mem>>)
        %dma_wait3A_180 = arith.constant 0 : i32
        %dma_wait3A_181 = arith.constant 0 : i32
        %dma_wait3A_182 = tpu.memref_slice %arg8[%dma_wait3A_180, %dma_wait3A_181] : memref<128x512xf32, #tpu.memory_space<vmem>> -> memref<64x128xf32, #tpu.memory_space<vmem>>
        %dma_wait3A_183 = arith.constant 0 : i32
        %dma_wait3A_184 = tpu.memref_slice %arg3[%dma_wait3A_183, %multiple_of3A_158] : memref<64x1000000xf32, #tpu.memory_space<hbm>> -> memref<64x128xf32, #tpu.memory_space<hbm>>
        %dma_wait3A_185 = arith.constant 0 : i32
        %dma_wait3A_186 = arith.constant 0 : i32
        %dma_wait3A_187 = tpu.memref_slice %arg8[%dma_wait3A_185, %dma_wait3A_186] : memref<128x512xf32, #tpu.memory_space<vmem>> -> memref<64x128xf32, #tpu.memory_space<vmem>>
        %dma_wait3A_188 = arith.constant 0 : i32
        %dma_wait3A_189 = tpu.memref_slice %arg3[%dma_wait3A_188, %multiple_of3A_158] : memref<64x1000000xf32, #tpu.memory_space<hbm>> -> memref<64x128xf32, #tpu.memory_space<hbm>>
        tpu.wait_dma2 semaphore(%run_scoped3A : memref<!tpu.dma_semaphore, #tpu.memory_space<semaphore_mem>>) src(%dma_wait3A_189 : memref<64x128xf32, #tpu.memory_space<hbm>>) dst(%dma_wait3A_187 : memref<64x128xf32, #tpu.memory_space<vmem>>)
        tpu.yield
      }) : () -> ()
      %while3A_159 = arith.constant 0 : i32
      %while3A_160 = arith.subi %select_n3A_86, %while3A_159 : i32
      %while3A_161 = arith.addi %while3A_159, %while3A_160 : i32
      %while3A_162 = arith.constant 1 : i32
      %while3A_163 = arith.divsi %while3A_160, %while3A_162 : i32
      %while3A_164 = arith.muli %while3A_163, %while3A_162 : i32
      %while3A_165 = arith.addi %while3A_159, %while3A_164 : i32
      %while3A_166 = arith.constant 1 : i32
      %while3A_167 = scf.for %while3A_170 = %while3A_159 to %while3A_165 step %while3A_166 iter_args(%while3A_171 = %while3A_157) -> (i32)  : i32 {
        %mul3A_172 = arith.constant 16 : i32
        %mul3A_173 = arith.muli %mul3A_172, %while3A_170 : i32
        %get3A = arith.index_cast %mul3A_173 : i32 to index
        %get3A_174 = tpu.vector_load %arg6[%get3A] {strides = array<i32>} : memref<20496xi32, #tpu.memory_space<vmem>>, vector<16xi32>,
        %ge3A = vector.broadcast %select_n3A : i32 to vector<16xi32>
        %ge3A_175 = arith.cmpi sge, %get3A_174, %ge3A : vector<16xi32>
        %add3A_176 = arith.constant 128 : i32
        %add3A_177 = arith.addi %select_n3A, %add3A_176 : i32
        %lt3A_178 = vector.broadcast %add3A_177 : i32 to vector<16xi32>
        %lt3A_179 = arith.cmpi slt, %get3A_174, %lt3A_178 : vector<16xi32>
        %and3A_180 = arith.andi %ge3A_175, %lt3A_179 : vector<16xi1>
        %while3A_181:2 = scf.while (%while3A_182 = %and3A_180, %while3A_183 = %while3A_171) : (vector<16xi1>, i32) -> (vector<16xi1>, i32) {
          %all_reduce_population_count3A = tpu.all_reduce %while3A_182 {dim = 0 : i64, kind = #tpu.reduction_kind<sum>} : vector<16xi1> -> vector<16xi32>
          %slice3A = vector.extract_strided_slice %all_reduce_population_count3A {offsets = [0], sizes = [1], strides = [1]} : vector<16xi32> to vector<1xi32>
          %squeeze3A = vector.extract %slice3A[0] : i32 from vector<1xi32>
          %gt3A = arith.constant 0 : i32
          %gt3A_184 = arith.cmpi sgt, %squeeze3A, %gt3A : i32
          scf.condition(%gt3A_184) %while3A_182, %while3A_183 : vector<16xi1>, i32
        } do {
        ^bb0(%while3A_182: vector<16xi1>, %while3A_183: i32):
          %all_reduce_ffs3A = tpu.all_reduce %while3A_182 {dim = 0 : i64, kind = #tpu.reduction_kind<find_first_set>} : vector<16xi1> -> vector<16xi32>
          %slice3A = vector.extract_strided_slice %all_reduce_ffs3A {offsets = [0], sizes = [1], strides = [1]} : vector<16xi32> to vector<1xi32>
          %squeeze3A = vector.extract %slice3A[0] : i32 from vector<1xi32>
          %mul3A_184 = arith.constant 16 : i32
          %mul3A_185 = arith.muli %mul3A_184, %while3A_170 : i32
          %add3A_186 = arith.addi %mul3A_185, %squeeze3A : i32
          %broadcast_in_dim3A_187 = vector.broadcast %add3A_186 : i32 to vector<16xi32>
          %gather3A = tpu.vector_load_idx %arg6[%broadcast_in_dim3A_187] : memref<20496xi32, #tpu.memory_space<vmem>>[vector<16xi32>], vector<16xi32>,
          %slice3A_188 = vector.extract_strided_slice %gather3A {offsets = [0], sizes = [1], strides = [1]} : vector<16xi32> to vector<1xi32>
          %squeeze3A_189 = vector.extract %slice3A_188[0] : i32 from vector<1xi32>
          %broadcast_in_dim3A_190 = vector.broadcast %add3A_186 : i32 to vector<16xi32>
          %gather3A_191 = tpu.vector_load_idx %arg7[%broadcast_in_dim3A_190] : memref<20496xi32, #tpu.memory_space<vmem>>[vector<16xi32>], vector<16xi32>,
          %slice3A_192 = vector.extract_strided_slice %gather3A_191 {offsets = [0], sizes = [1], strides = [1]} : vector<16xi32> to vector<1xi32>
          %squeeze3A_193 = vector.extract %slice3A_192[0] : i32 from vector<1xi32>
          %sub3A_194 = arith.subi %squeeze3A_189, %select_n3A : i32
          %broadcast_in_dim3A_195 = vector.broadcast %sub3A_194 : i32 to vector<16xi32>
          %rem3A_196 = arith.constant 16 : i32
          %rem3A_197 = arith.remsi %while3A_183, %rem3A_196 : i32
          %broadcast_in_dim3A_198 = vector.broadcast %rem3A_197 : i32 to vector<16xi32>
          %add3A_199 = arith.constant 0 : i32
          %add3A_200 = vector.broadcast %add3A_199 : i32 to vector<16xi32>
          %add3A_201 = arith.addi %add3A_200, %iota3A : vector<16xi32>
          %gather3A_202 = tpu.vector_load_idx %arg8[%add3A_201, %broadcast_in_dim3A_195] : memref<128x512xf32, #tpu.memory_space<vmem>>[vector<16xi32>, vector<16xi32>], vector<16xf32>,
          %add3A_203 = arith.constant 0 : i32
          %add3A_204 = vector.broadcast %add3A_203 : i32 to vector<16xi32>
          %add3A_205 = arith.addi %add3A_204, %iota3A : vector<16xi32>
          tpu.vector_store_idx %arg9[%broadcast_in_dim3A_198, %add3A_205], %gather3A_202 : memref<16x128xf32, #tpu.memory_space<vmem>>[vector<16xi32>, vector<16xi32>], vector<16xf32>,
          %add3A_206 = arith.constant 16 : i32
          %add3A_207 = vector.broadcast %add3A_206 : i32 to vector<16xi32>
          %add3A_208 = arith.addi %add3A_207, %iota3A : vector<16xi32>
          %gather3A_209 = tpu.vector_load_idx %arg8[%add3A_208, %broadcast_in_dim3A_195] : memref<128x512xf32, #tpu.memory_space<vmem>>[vector<16xi32>, vector<16xi32>], vector<16xf32>,
          %add3A_210 = arith.constant 16 : i32
          %add3A_211 = vector.broadcast %add3A_210 : i32 to vector<16xi32>
          %add3A_212 = arith.addi %add3A_211, %iota3A : vector<16xi32>
          tpu.vector_store_idx %arg9[%broadcast_in_dim3A_198, %add3A_212], %gather3A_209 : memref<16x128xf32, #tpu.memory_space<vmem>>[vector<16xi32>, vector<16xi32>], vector<16xf32>,
          %add3A_213 = arith.constant 32 : i32
          %add3A_214 = vector.broadcast %add3A_213 : i32 to vector<16xi32>
          %add3A_215 = arith.addi %add3A_214, %iota3A : vector<16xi32>
          %gather3A_216 = tpu.vector_load_idx %arg8[%add3A_215, %broadcast_in_dim3A_195] : memref<128x512xf32, #tpu.memory_space<vmem>>[vector<16xi32>, vector<16xi32>], vector<16xf32>,
          %add3A_217 = arith.constant 32 : i32
          %add3A_218 = vector.broadcast %add3A_217 : i32 to vector<16xi32>
          %add3A_219 = arith.addi %add3A_218, %iota3A : vector<16xi32>
          tpu.vector_store_idx %arg9[%broadcast_in_dim3A_198, %add3A_219], %gather3A_216 : memref<16x128xf32, #tpu.memory_space<vmem>>[vector<16xi32>, vector<16xi32>], vector<16xf32>,
          %add3A_220 = arith.constant 48 : i32
          %add3A_221 = vector.broadcast %add3A_220 : i32 to vector<16xi32>
          %add3A_222 = arith.addi %add3A_221, %iota3A : vector<16xi32>
          %gather3A_223 = tpu.vector_load_idx %arg8[%add3A_222, %broadcast_in_dim3A_195] : memref<128x512xf32, #tpu.memory_space<vmem>>[vector<16xi32>, vector<16xi32>], vector<16xf32>,
          %add3A_224 = arith.constant 48 : i32
          %add3A_225 = vector.broadcast %add3A_224 : i32 to vector<16xi32>
          %add3A_226 = arith.addi %add3A_225, %iota3A : vector<16xi32>
          tpu.vector_store_idx %arg9[%broadcast_in_dim3A_198, %add3A_226], %gather3A_223 : memref<16x128xf32, #tpu.memory_space<vmem>>[vector<16xi32>, vector<16xi32>], vector<16xf32>,
          %broadcast_in_dim3A_227 = vector.broadcast %squeeze3A_193 : i32 to vector<16xi32>
          %eq3A = arith.constant 0 : i32
          %eq3A_228 = vector.broadcast %eq3A : i32 to vector<16xi32>
          %eq3A_229 = arith.cmpi eq, %iota3A, %eq3A_228 : vector<16xi32>
          tpu.vector_store_idx %arg10[%broadcast_in_dim3A_198], %broadcast_in_dim3A_227 masked %eq3A_229 : memref<16xi32, #tpu.memory_space<vmem>>[vector<16xi32>], vector<16xi32>, vector<16xi1>
          %add3A_230 = arith.constant 1 : i32
          %add3A_231 = arith.addi %while3A_183, %add3A_230 : i32
          %rem3A_232 = arith.constant 16 : i32
          %rem3A_233 = arith.remsi %add3A_231, %rem3A_232 : i32
          %eq3A_234 = arith.constant 0 : i32
          %eq3A_235 = arith.cmpi eq, %rem3A_233, %eq3A_234 : i32
          %convert_element_type3A = arith.extui %eq3A_235 : i1 to i32
          %cond3A = arith.constant 0 : i32
          %cond3A_236 = arith.cmpi ne, %convert_element_type3A, %cond3A : i32
          scf.if %cond3A_236 {
            %dma_start3A_240 = arith.constant 0 : i32
            %dma_start3A_241 = arith.constant 0 : i32
            %dma_start3A_242 = tpu.memref_slice %arg4[%dma_start3A_240, %dma_start3A_241] : memref<24576x128xf32, #tpu.memory_space<hbm>> -> memref<24576x128xf32, #tpu.memory_space<hbm>>
            tpu.enqueue_indirect_dma source(%arg9 : memref<16x128xf32, #tpu.memory_space<vmem>>) target(%dma_start3A_242 : memref<24576x128xf32, #tpu.memory_space<hbm>>) offsets(%arg10 : memref<16xi32, #tpu.memory_space<vmem>>) semaphore(%arg13 : memref<!tpu.dma_semaphore, #tpu.memory_space<semaphore_mem>>)
            %dma_wait3A_243 = arith.constant 0 : i32
            %dma_wait3A_244 = arith.constant 0 : i32
            %dma_wait3A_245 = tpu.memref_slice %arg4[%dma_wait3A_243, %dma_wait3A_244] : memref<24576x128xf32, #tpu.memory_space<hbm>> -> memref<24576x128xf32, #tpu.memory_space<hbm>>
            tpu.wait_indirect_dma semaphore(%arg13 : memref<!tpu.dma_semaphore, #tpu.memory_space<semaphore_mem>>) src(%arg9 : memref<16x128xf32, #tpu.memory_space<vmem>>) dst(%dma_wait3A_245 : memref<24576x128xf32, #tpu.memory_space<hbm>>)
            %swap3A_246 = arith.constant 0 : index
            %swap3A_247 = tpu.vector_load %arg10[%swap3A_246] {strides = array<i32>} : memref<16xi32, #tpu.memory_space<vmem>>, vector<16xi32>,
            tpu.vector_store %arg10[%swap3A_246], %add3A_9 {strides = array<i32>} : memref<16xi32, #tpu.memory_space<vmem>>, vector<16xi32>,
          } else {
          }
          %ne3A_237 = vector.broadcast %squeeze3A : i32 to vector<16xi32>
          %ne3A_238 = arith.cmpi ne, %iota3A, %ne3A_237 : vector<16xi32>
          %and3A_239 = arith.andi %while3A_182, %ne3A_238 : vector<16xi1>
          scf.yield %and3A_239, %add3A_231 : vector<16xi1>, i32
        }
        scf.yield %while3A_181#1 : i32
      }
      %while3A_168 = arith.constant 1 : i32
      %while3A_169 = scf.for %while3A_170 = %while3A_165 to %while3A_161 step %while3A_168 iter_args(%while3A_171 = %while3A_167) -> (i32)  : i32 {
        %mul3A_172 = arith.constant 16 : i32
        %mul3A_173 = arith.muli %mul3A_172, %while3A_170 : i32
        %get3A = arith.index_cast %mul3A_173 : i32 to index
        %get3A_174 = tpu.vector_load %arg6[%get3A] {strides = array<i32>} : memref<20496xi32, #tpu.memory_space<vmem>>, vector<16xi32>,
        %ge3A = vector.broadcast %select_n3A : i32 to vector<16xi32>
        %ge3A_175 = arith.cmpi sge, %get3A_174, %ge3A : vector<16xi32>
        %add3A_176 = arith.constant 128 : i32
        %add3A_177 = arith.addi %select_n3A, %add3A_176 : i32
        %lt3A_178 = vector.broadcast %add3A_177 : i32 to vector<16xi32>
        %lt3A_179 = arith.cmpi slt, %get3A_174, %lt3A_178 : vector<16xi32>
        %and3A_180 = arith.andi %ge3A_175, %lt3A_179 : vector<16xi1>
        %while3A_181:2 = scf.while (%while3A_182 = %and3A_180, %while3A_183 = %while3A_171) : (vector<16xi1>, i32) -> (vector<16xi1>, i32) {
          %all_reduce_population_count3A = tpu.all_reduce %while3A_182 {dim = 0 : i64, kind = #tpu.reduction_kind<sum>} : vector<16xi1> -> vector<16xi32>
          %slice3A = vector.extract_strided_slice %all_reduce_population_count3A {offsets = [0], sizes = [1], strides = [1]} : vector<16xi32> to vector<1xi32>
          %squeeze3A = vector.extract %slice3A[0] : i32 from vector<1xi32>
          %gt3A = arith.constant 0 : i32
          %gt3A_184 = arith.cmpi sgt, %squeeze3A, %gt3A : i32
          scf.condition(%gt3A_184) %while3A_182, %while3A_183 : vector<16xi1>, i32
        } do {
        ^bb0(%while3A_182: vector<16xi1>, %while3A_183: i32):
          %all_reduce_ffs3A = tpu.all_reduce %while3A_182 {dim = 0 : i64, kind = #tpu.reduction_kind<find_first_set>} : vector<16xi1> -> vector<16xi32>
          %slice3A = vector.extract_strided_slice %all_reduce_ffs3A {offsets = [0], sizes = [1], strides = [1]} : vector<16xi32> to vector<1xi32>
          %squeeze3A = vector.extract %slice3A[0] : i32 from vector<1xi32>
          %mul3A_184 = arith.constant 16 : i32
          %mul3A_185 = arith.muli %mul3A_184, %while3A_170 : i32
          %add3A_186 = arith.addi %mul3A_185, %squeeze3A : i32
          %broadcast_in_dim3A_187 = vector.broadcast %add3A_186 : i32 to vector<16xi32>
          %gather3A = tpu.vector_load_idx %arg6[%broadcast_in_dim3A_187] : memref<20496xi32, #tpu.memory_space<vmem>>[vector<16xi32>], vector<16xi32>,
          %slice3A_188 = vector.extract_strided_slice %gather3A {offsets = [0], sizes = [1], strides = [1]} : vector<16xi32> to vector<1xi32>
          %squeeze3A_189 = vector.extract %slice3A_188[0] : i32 from vector<1xi32>
          %broadcast_in_dim3A_190 = vector.broadcast %add3A_186 : i32 to vector<16xi32>
          %gather3A_191 = tpu.vector_load_idx %arg7[%broadcast_in_dim3A_190] : memref<20496xi32, #tpu.memory_space<vmem>>[vector<16xi32>], vector<16xi32>,
          %slice3A_192 = vector.extract_strided_slice %gather3A_191 {offsets = [0], sizes = [1], strides = [1]} : vector<16xi32> to vector<1xi32>
          %squeeze3A_193 = vector.extract %slice3A_192[0] : i32 from vector<1xi32>
          %sub3A_194 = arith.subi %squeeze3A_189, %select_n3A : i32
          %broadcast_in_dim3A_195 = vector.broadcast %sub3A_194 : i32 to vector<16xi32>
          %rem3A_196 = arith.constant 16 : i32
          %rem3A_197 = arith.remsi %while3A_183, %rem3A_196 : i32
          %broadcast_in_dim3A_198 = vector.broadcast %rem3A_197 : i32 to vector<16xi32>
          %add3A_199 = arith.constant 0 : i32
          %add3A_200 = vector.broadcast %add3A_199 : i32 to vector<16xi32>
          %add3A_201 = arith.addi %add3A_200, %iota3A : vector<16xi32>
          %gather3A_202 = tpu.vector_load_idx %arg8[%add3A_201, %broadcast_in_dim3A_195] : memref<128x512xf32, #tpu.memory_space<vmem>>[vector<16xi32>, vector<16xi32>], vector<16xf32>,
          %add3A_203 = arith.constant 0 : i32
          %add3A_204 = vector.broadcast %add3A_203 : i32 to vector<16xi32>
          %add3A_205 = arith.addi %add3A_204, %iota3A : vector<16xi32>
          tpu.vector_store_idx %arg9[%broadcast_in_dim3A_198, %add3A_205], %gather3A_202 : memref<16x128xf32, #tpu.memory_space<vmem>>[vector<16xi32>, vector<16xi32>], vector<16xf32>,
          %add3A_206 = arith.constant 16 : i32
          %add3A_207 = vector.broadcast %add3A_206 : i32 to vector<16xi32>
          %add3A_208 = arith.addi %add3A_207, %iota3A : vector<16xi32>
          %gather3A_209 = tpu.vector_load_idx %arg8[%add3A_208, %broadcast_in_dim3A_195] : memref<128x512xf32, #tpu.memory_space<vmem>>[vector<16xi32>, vector<16xi32>], vector<16xf32>,
          %add3A_210 = arith.constant 16 : i32
          %add3A_211 = vector.broadcast %add3A_210 : i32 to vector<16xi32>
          %add3A_212 = arith.addi %add3A_211, %iota3A : vector<16xi32>
          tpu.vector_store_idx %arg9[%broadcast_in_dim3A_198, %add3A_212], %gather3A_209 : memref<16x128xf32, #tpu.memory_space<vmem>>[vector<16xi32>, vector<16xi32>], vector<16xf32>,
          %add3A_213 = arith.constant 32 : i32
          %add3A_214 = vector.broadcast %add3A_213 : i32 to vector<16xi32>
          %add3A_215 = arith.addi %add3A_214, %iota3A : vector<16xi32>
          %gather3A_216 = tpu.vector_load_idx %arg8[%add3A_215, %broadcast_in_dim3A_195] : memref<128x512xf32, #tpu.memory_space<vmem>>[vector<16xi32>, vector<16xi32>], vector<16xf32>,
          %add3A_217 = arith.constant 32 : i32
          %add3A_218 = vector.broadcast %add3A_217 : i32 to vector<16xi32>
          %add3A_219 = arith.addi %add3A_218, %iota3A : vector<16xi32>
          tpu.vector_store_idx %arg9[%broadcast_in_dim3A_198, %add3A_219], %gather3A_216 : memref<16x128xf32, #tpu.memory_space<vmem>>[vector<16xi32>, vector<16xi32>], vector<16xf32>,
          %add3A_220 = arith.constant 48 : i32
          %add3A_221 = vector.broadcast %add3A_220 : i32 to vector<16xi32>
          %add3A_222 = arith.addi %add3A_221, %iota3A : vector<16xi32>
          %gather3A_223 = tpu.vector_load_idx %arg8[%add3A_222, %broadcast_in_dim3A_195] : memref<128x512xf32, #tpu.memory_space<vmem>>[vector<16xi32>, vector<16xi32>], vector<16xf32>,
          %add3A_224 = arith.constant 48 : i32
          %add3A_225 = vector.broadcast %add3A_224 : i32 to vector<16xi32>
          %add3A_226 = arith.addi %add3A_225, %iota3A : vector<16xi32>
          tpu.vector_store_idx %arg9[%broadcast_in_dim3A_198, %add3A_226], %gather3A_223 : memref<16x128xf32, #tpu.memory_space<vmem>>[vector<16xi32>, vector<16xi32>], vector<16xf32>,
          %broadcast_in_dim3A_227 = vector.broadcast %squeeze3A_193 : i32 to vector<16xi32>
          %eq3A = arith.constant 0 : i32
          %eq3A_228 = vector.broadcast %eq3A : i32 to vector<16xi32>
          %eq3A_229 = arith.cmpi eq, %iota3A, %eq3A_228 : vector<16xi32>
          tpu.vector_store_idx %arg10[%broadcast_in_dim3A_198], %broadcast_in_dim3A_227 masked %eq3A_229 : memref<16xi32, #tpu.memory_space<vmem>>[vector<16xi32>], vector<16xi32>, vector<16xi1>
          %add3A_230 = arith.constant 1 : i32
          %add3A_231 = arith.addi %while3A_183, %add3A_230 : i32
          %rem3A_232 = arith.constant 16 : i32
          %rem3A_233 = arith.remsi %add3A_231, %rem3A_232 : i32
          %eq3A_234 = arith.constant 0 : i32
          %eq3A_235 = arith.cmpi eq, %rem3A_233, %eq3A_234 : i32
          %convert_element_type3A = arith.extui %eq3A_235 : i1 to i32
          %cond3A = arith.constant 0 : i32
          %cond3A_236 = arith.cmpi ne, %convert_element_type3A, %cond3A : i32
          scf.if %cond3A_236 {
            %dma_start3A_240 = arith.constant 0 : i32
            %dma_start3A_241 = arith.constant 0 : i32
            %dma_start3A_242 = tpu.memref_slice %arg4[%dma_start3A_240, %dma_start3A_241] : memref<24576x128xf32, #tpu.memory_space<hbm>> -> memref<24576x128xf32, #tpu.memory_space<hbm>>
            tpu.enqueue_indirect_dma source(%arg9 : memref<16x128xf32, #tpu.memory_space<vmem>>) target(%dma_start3A_242 : memref<24576x128xf32, #tpu.memory_space<hbm>>) offsets(%arg10 : memref<16xi32, #tpu.memory_space<vmem>>) semaphore(%arg13 : memref<!tpu.dma_semaphore, #tpu.memory_space<semaphore_mem>>)
            %dma_wait3A_243 = arith.constant 0 : i32
            %dma_wait3A_244 = arith.constant 0 : i32
            %dma_wait3A_245 = tpu.memref_slice %arg4[%dma_wait3A_243, %dma_wait3A_244] : memref<24576x128xf32, #tpu.memory_space<hbm>> -> memref<24576x128xf32, #tpu.memory_space<hbm>>
            tpu.wait_indirect_dma semaphore(%arg13 : memref<!tpu.dma_semaphore, #tpu.memory_space<semaphore_mem>>) src(%arg9 : memref<16x128xf32, #tpu.memory_space<vmem>>) dst(%dma_wait3A_245 : memref<24576x128xf32, #tpu.memory_space<hbm>>)
            %swap3A_246 = arith.constant 0 : index
            %swap3A_247 = tpu.vector_load %arg10[%swap3A_246] {strides = array<i32>} : memref<16xi32, #tpu.memory_space<vmem>>, vector<16xi32>,
            tpu.vector_store %arg10[%swap3A_246], %add3A_9 {strides = array<i32>} : memref<16xi32, #tpu.memory_space<vmem>>, vector<16xi32>,
          } else {
          }
          %ne3A_237 = vector.broadcast %squeeze3A : i32 to vector<16xi32>
          %ne3A_238 = arith.cmpi ne, %iota3A, %ne3A_237 : vector<16xi32>
          %and3A_239 = arith.andi %while3A_182, %ne3A_238 : vector<16xi1>
          scf.yield %and3A_239, %add3A_231 : vector<16xi1>, i32
        }
        scf.yield %while3A_181#1 : i32
      }
      scf.yield %while3A_169 : i32
    }
    %while3A_146 = arith.constant 1 : i32
    %while3A_147 = scf.for %while3A_156 = %while3A_143 to %while3A_139 step %while3A_146 iter_args(%while3A_157 = %while3A_145) -> (i32)  : i32 {
      %multiple_of3A_158 = tpu.assume_multiple %select_n3A, 128 : i32
      "tpu.region"() ({
        %run_scoped3A = tpu.sem_alloc : memref<!tpu.dma_semaphore, #tpu.memory_space<semaphore_mem>>
        %dma_start3A_170 = arith.constant 0 : i32
        %dma_start3A_171 = arith.constant 0 : i32
        %dma_start3A_172 = tpu.memref_slice %arg8[%dma_start3A_170, %dma_start3A_171] : memref<128x512xf32, #tpu.memory_space<vmem>> -> memref<64x128xf32, #tpu.memory_space<vmem>>
        %dma_start3A_173 = arith.constant 0 : i32
        %dma_start3A_174 = tpu.memref_slice %arg3[%dma_start3A_173, %multiple_of3A_158] : memref<64x1000000xf32, #tpu.memory_space<hbm>> -> memref<64x128xf32, #tpu.memory_space<hbm>>
        %dma_start3A_175 = arith.constant 0 : i32
        %dma_start3A_176 = arith.constant 0 : i32
        %dma_start3A_177 = tpu.memref_slice %arg8[%dma_start3A_175, %dma_start3A_176] : memref<128x512xf32, #tpu.memory_space<vmem>> -> memref<64x128xf32, #tpu.memory_space<vmem>>
        %dma_start3A_178 = arith.constant 0 : i32
        %dma_start3A_179 = tpu.memref_slice %arg3[%dma_start3A_178, %multiple_of3A_158] : memref<64x1000000xf32, #tpu.memory_space<hbm>> -> memref<64x128xf32, #tpu.memory_space<hbm>>
        tpu.enqueue_dma source(%dma_start3A_179 : memref<64x128xf32, #tpu.memory_space<hbm>>) target(%dma_start3A_177 : memref<64x128xf32, #tpu.memory_space<vmem>>) target_semaphore(%run_scoped3A : memref<!tpu.dma_semaphore, #tpu.memory_space<semaphore_mem>>)
        %dma_wait3A_180 = arith.constant 0 : i32
        %dma_wait3A_181 = arith.constant 0 : i32
        %dma_wait3A_182 = tpu.memref_slice %arg8[%dma_wait3A_180, %dma_wait3A_181] : memref<128x512xf32, #tpu.memory_space<vmem>> -> memref<64x128xf32, #tpu.memory_space<vmem>>
        %dma_wait3A_183 = arith.constant 0 : i32
        %dma_wait3A_184 = tpu.memref_slice %arg3[%dma_wait3A_183, %multiple_of3A_158] : memref<64x1000000xf32, #tpu.memory_space<hbm>> -> memref<64x128xf32, #tpu.memory_space<hbm>>
        %dma_wait3A_185 = arith.constant 0 : i32
        %dma_wait3A_186 = arith.constant 0 : i32
        %dma_wait3A_187 = tpu.memref_slice %arg8[%dma_wait3A_185, %dma_wait3A_186] : memref<128x512xf32, #tpu.memory_space<vmem>> -> memref<64x128xf32, #tpu.memory_space<vmem>>
        %dma_wait3A_188 = arith.constant 0 : i32
        %dma_wait3A_189 = tpu.memref_slice %arg3[%dma_wait3A_188, %multiple_of3A_158] : memref<64x1000000xf32, #tpu.memory_space<hbm>> -> memref<64x128xf32, #tpu.memory_space<hbm>>
        tpu.wait_dma2 semaphore(%run_scoped3A : memref<!tpu.dma_semaphore, #tpu.memory_space<semaphore_mem>>) src(%dma_wait3A_189 : memref<64x128xf32, #tpu.memory_space<hbm>>) dst(%dma_wait3A_187 : memref<64x128xf32, #tpu.memory_space<vmem>>)
        tpu.yield
      }) : () -> ()
      %while3A_159 = arith.constant 0 : i32
      %while3A_160 = arith.subi %select_n3A_86, %while3A_159 : i32
      %while3A_161 = arith.addi %while3A_159, %while3A_160 : i32
      %while3A_162 = arith.constant 1 : i32
      %while3A_163 = arith.divsi %while3A_160, %while3A_162 : i32
      %while3A_164 = arith.muli %while3A_163, %while3A_162 : i32
      %while3A_165 = arith.addi %while3A_159, %while3A_164 : i32
      %while3A_166 = arith.constant 1 : i32
      %while3A_167 = scf.for %while3A_170 = %while3A_159 to %while3A_165 step %while3A_166 iter_args(%while3A_171 = %while3A_157) -> (i32)  : i32 {
        %mul3A_172 = arith.constant 16 : i32
        %mul3A_173 = arith.muli %mul3A_172, %while3A_170 : i32
        %get3A = arith.index_cast %mul3A_173 : i32 to index
        %get3A_174 = tpu.vector_load %arg6[%get3A] {strides = array<i32>} : memref<20496xi32, #tpu.memory_space<vmem>>, vector<16xi32>,
        %ge3A = vector.broadcast %select_n3A : i32 to vector<16xi32>
        %ge3A_175 = arith.cmpi sge, %get3A_174, %ge3A : vector<16xi32>
        %add3A_176 = arith.constant 128 : i32
        %add3A_177 = arith.addi %select_n3A, %add3A_176 : i32
        %lt3A_178 = vector.broadcast %add3A_177 : i32 to vector<16xi32>
        %lt3A_179 = arith.cmpi slt, %get3A_174, %lt3A_178 : vector<16xi32>
        %and3A_180 = arith.andi %ge3A_175, %lt3A_179 : vector<16xi1>
        %while3A_181:2 = scf.while (%while3A_182 = %and3A_180, %while3A_183 = %while3A_171) : (vector<16xi1>, i32) -> (vector<16xi1>, i32) {
          %all_reduce_population_count3A = tpu.all_reduce %while3A_182 {dim = 0 : i64, kind = #tpu.reduction_kind<sum>} : vector<16xi1> -> vector<16xi32>
          %slice3A = vector.extract_strided_slice %all_reduce_population_count3A {offsets = [0], sizes = [1], strides = [1]} : vector<16xi32> to vector<1xi32>
          %squeeze3A = vector.extract %slice3A[0] : i32 from vector<1xi32>
          %gt3A = arith.constant 0 : i32
          %gt3A_184 = arith.cmpi sgt, %squeeze3A, %gt3A : i32
          scf.condition(%gt3A_184) %while3A_182, %while3A_183 : vector<16xi1>, i32
        } do {
        ^bb0(%while3A_182: vector<16xi1>, %while3A_183: i32):
          %all_reduce_ffs3A = tpu.all_reduce %while3A_182 {dim = 0 : i64, kind = #tpu.reduction_kind<find_first_set>} : vector<16xi1> -> vector<16xi32>
          %slice3A = vector.extract_strided_slice %all_reduce_ffs3A {offsets = [0], sizes = [1], strides = [1]} : vector<16xi32> to vector<1xi32>
          %squeeze3A = vector.extract %slice3A[0] : i32 from vector<1xi32>
          %mul3A_184 = arith.constant 16 : i32
          %mul3A_185 = arith.muli %mul3A_184, %while3A_170 : i32
          %add3A_186 = arith.addi %mul3A_185, %squeeze3A : i32
          %broadcast_in_dim3A_187 = vector.broadcast %add3A_186 : i32 to vector<16xi32>
          %gather3A = tpu.vector_load_idx %arg6[%broadcast_in_dim3A_187] : memref<20496xi32, #tpu.memory_space<vmem>>[vector<16xi32>], vector<16xi32>,
          %slice3A_188 = vector.extract_strided_slice %gather3A {offsets = [0], sizes = [1], strides = [1]} : vector<16xi32> to vector<1xi32>
          %squeeze3A_189 = vector.extract %slice3A_188[0] : i32 from vector<1xi32>
          %broadcast_in_dim3A_190 = vector.broadcast %add3A_186 : i32 to vector<16xi32>
          %gather3A_191 = tpu.vector_load_idx %arg7[%broadcast_in_dim3A_190] : memref<20496xi32, #tpu.memory_space<vmem>>[vector<16xi32>], vector<16xi32>,
          %slice3A_192 = vector.extract_strided_slice %gather3A_191 {offsets = [0], sizes = [1], strides = [1]} : vector<16xi32> to vector<1xi32>
          %squeeze3A_193 = vector.extract %slice3A_192[0] : i32 from vector<1xi32>
          %sub3A_194 = arith.subi %squeeze3A_189, %select_n3A : i32
          %broadcast_in_dim3A_195 = vector.broadcast %sub3A_194 : i32 to vector<16xi32>
          %rem3A_196 = arith.constant 16 : i32
          %rem3A_197 = arith.remsi %while3A_183, %rem3A_196 : i32
          %broadcast_in_dim3A_198 = vector.broadcast %rem3A_197 : i32 to vector<16xi32>
          %add3A_199 = arith.constant 0 : i32
          %add3A_200 = vector.broadcast %add3A_199 : i32 to vector<16xi32>
          %add3A_201 = arith.addi %add3A_200, %iota3A : vector<16xi32>
          %gather3A_202 = tpu.vector_load_idx %arg8[%add3A_201, %broadcast_in_dim3A_195] : memref<128x512xf32, #tpu.memory_space<vmem>>[vector<16xi32>, vector<16xi32>], vector<16xf32>,
          %add3A_203 = arith.constant 0 : i32
          %add3A_204 = vector.broadcast %add3A_203 : i32 to vector<16xi32>
          %add3A_205 = arith.addi %add3A_204, %iota3A : vector<16xi32>
          tpu.vector_store_idx %arg9[%broadcast_in_dim3A_198, %add3A_205], %gather3A_202 : memref<16x128xf32, #tpu.memory_space<vmem>>[vector<16xi32>, vector<16xi32>], vector<16xf32>,
          %add3A_206 = arith.constant 16 : i32
          %add3A_207 = vector.broadcast %add3A_206 : i32 to vector<16xi32>
          %add3A_208 = arith.addi %add3A_207, %iota3A : vector<16xi32>
          %gather3A_209 = tpu.vector_load_idx %arg8[%add3A_208, %broadcast_in_dim3A_195] : memref<128x512xf32, #tpu.memory_space<vmem>>[vector<16xi32>, vector<16xi32>], vector<16xf32>,
          %add3A_210 = arith.constant 16 : i32
          %add3A_211 = vector.broadcast %add3A_210 : i32 to vector<16xi32>
          %add3A_212 = arith.addi %add3A_211, %iota3A : vector<16xi32>
          tpu.vector_store_idx %arg9[%broadcast_in_dim3A_198, %add3A_212], %gather3A_209 : memref<16x128xf32, #tpu.memory_space<vmem>>[vector<16xi32>, vector<16xi32>], vector<16xf32>,
          %add3A_213 = arith.constant 32 : i32
          %add3A_214 = vector.broadcast %add3A_213 : i32 to vector<16xi32>
          %add3A_215 = arith.addi %add3A_214, %iota3A : vector<16xi32>
          %gather3A_216 = tpu.vector_load_idx %arg8[%add3A_215, %broadcast_in_dim3A_195] : memref<128x512xf32, #tpu.memory_space<vmem>>[vector<16xi32>, vector<16xi32>], vector<16xf32>,
          %add3A_217 = arith.constant 32 : i32
          %add3A_218 = vector.broadcast %add3A_217 : i32 to vector<16xi32>
          %add3A_219 = arith.addi %add3A_218, %iota3A : vector<16xi32>
          tpu.vector_store_idx %arg9[%broadcast_in_dim3A_198, %add3A_219], %gather3A_216 : memref<16x128xf32, #tpu.memory_space<vmem>>[vector<16xi32>, vector<16xi32>], vector<16xf32>,
          %add3A_220 = arith.constant 48 : i32
          %add3A_221 = vector.broadcast %add3A_220 : i32 to vector<16xi32>
          %add3A_222 = arith.addi %add3A_221, %iota3A : vector<16xi32>
          %gather3A_223 = tpu.vector_load_idx %arg8[%add3A_222, %broadcast_in_dim3A_195] : memref<128x512xf32, #tpu.memory_space<vmem>>[vector<16xi32>, vector<16xi32>], vector<16xf32>,
          %add3A_224 = arith.constant 48 : i32
          %add3A_225 = vector.broadcast %add3A_224 : i32 to vector<16xi32>
          %add3A_226 = arith.addi %add3A_225, %iota3A : vector<16xi32>
          tpu.vector_store_idx %arg9[%broadcast_in_dim3A_198, %add3A_226], %gather3A_223 : memref<16x128xf32, #tpu.memory_space<vmem>>[vector<16xi32>, vector<16xi32>], vector<16xf32>,
          %broadcast_in_dim3A_227 = vector.broadcast %squeeze3A_193 : i32 to vector<16xi32>
          %eq3A = arith.constant 0 : i32
          %eq3A_228 = vector.broadcast %eq3A : i32 to vector<16xi32>
          %eq3A_229 = arith.cmpi eq, %iota3A, %eq3A_228 : vector<16xi32>
          tpu.vector_store_idx %arg10[%broadcast_in_dim3A_198], %broadcast_in_dim3A_227 masked %eq3A_229 : memref<16xi32, #tpu.memory_space<vmem>>[vector<16xi32>], vector<16xi32>, vector<16xi1>
          %add3A_230 = arith.constant 1 : i32
          %add3A_231 = arith.addi %while3A_183, %add3A_230 : i32
          %rem3A_232 = arith.constant 16 : i32
          %rem3A_233 = arith.remsi %add3A_231, %rem3A_232 : i32
          %eq3A_234 = arith.constant 0 : i32
          %eq3A_235 = arith.cmpi eq, %rem3A_233, %eq3A_234 : i32
          %convert_element_type3A = arith.extui %eq3A_235 : i1 to i32
          %cond3A = arith.constant 0 : i32
          %cond3A_236 = arith.cmpi ne, %convert_element_type3A, %cond3A : i32
          scf.if %cond3A_236 {
            %dma_start3A_240 = arith.constant 0 : i32
            %dma_start3A_241 = arith.constant 0 : i32
            %dma_start3A_242 = tpu.memref_slice %arg4[%dma_start3A_240, %dma_start3A_241] : memref<24576x128xf32, #tpu.memory_space<hbm>> -> memref<24576x128xf32, #tpu.memory_space<hbm>>
            tpu.enqueue_indirect_dma source(%arg9 : memref<16x128xf32, #tpu.memory_space<vmem>>) target(%dma_start3A_242 : memref<24576x128xf32, #tpu.memory_space<hbm>>) offsets(%arg10 : memref<16xi32, #tpu.memory_space<vmem>>) semaphore(%arg13 : memref<!tpu.dma_semaphore, #tpu.memory_space<semaphore_mem>>)
            %dma_wait3A_243 = arith.constant 0 : i32
            %dma_wait3A_244 = arith.constant 0 : i32
            %dma_wait3A_245 = tpu.memref_slice %arg4[%dma_wait3A_243, %dma_wait3A_244] : memref<24576x128xf32, #tpu.memory_space<hbm>> -> memref<24576x128xf32, #tpu.memory_space<hbm>>
            tpu.wait_indirect_dma semaphore(%arg13 : memref<!tpu.dma_semaphore, #tpu.memory_space<semaphore_mem>>) src(%arg9 : memref<16x128xf32, #tpu.memory_space<vmem>>) dst(%dma_wait3A_245 : memref<24576x128xf32, #tpu.memory_space<hbm>>)
            %swap3A_246 = arith.constant 0 : index
            %swap3A_247 = tpu.vector_load %arg10[%swap3A_246] {strides = array<i32>} : memref<16xi32, #tpu.memory_space<vmem>>, vector<16xi32>,
            tpu.vector_store %arg10[%swap3A_246], %add3A_9 {strides = array<i32>} : memref<16xi32, #tpu.memory_space<vmem>>, vector<16xi32>,
          } else {
          }
          %ne3A_237 = vector.broadcast %squeeze3A : i32 to vector<16xi32>
          %ne3A_238 = arith.cmpi ne, %iota3A, %ne3A_237 : vector<16xi32>
          %and3A_239 = arith.andi %while3A_182, %ne3A_238 : vector<16xi1>
          scf.yield %and3A_239, %add3A_231 : vector<16xi1>, i32
        }
        scf.yield %while3A_181#1 : i32
      }
      %while3A_168 = arith.constant 1 : i32
      %while3A_169 = scf.for %while3A_170 = %while3A_165 to %while3A_161 step %while3A_168 iter_args(%while3A_171 = %while3A_167) -> (i32)  : i32 {
        %mul3A_172 = arith.constant 16 : i32
        %mul3A_173 = arith.muli %mul3A_172, %while3A_170 : i32
        %get3A = arith.index_cast %mul3A_173 : i32 to index
        %get3A_174 = tpu.vector_load %arg6[%get3A] {strides = array<i32>} : memref<20496xi32, #tpu.memory_space<vmem>>, vector<16xi32>,
        %ge3A = vector.broadcast %select_n3A : i32 to vector<16xi32>
        %ge3A_175 = arith.cmpi sge, %get3A_174, %ge3A : vector<16xi32>
        %add3A_176 = arith.constant 128 : i32
        %add3A_177 = arith.addi %select_n3A, %add3A_176 : i32
        %lt3A_178 = vector.broadcast %add3A_177 : i32 to vector<16xi32>
        %lt3A_179 = arith.cmpi slt, %get3A_174, %lt3A_178 : vector<16xi32>
        %and3A_180 = arith.andi %ge3A_175, %lt3A_179 : vector<16xi1>
        %while3A_181:2 = scf.while (%while3A_182 = %and3A_180, %while3A_183 = %while3A_171) : (vector<16xi1>, i32) -> (vector<16xi1>, i32) {
          %all_reduce_population_count3A = tpu.all_reduce %while3A_182 {dim = 0 : i64, kind = #tpu.reduction_kind<sum>} : vector<16xi1> -> vector<16xi32>
          %slice3A = vector.extract_strided_slice %all_reduce_population_count3A {offsets = [0], sizes = [1], strides = [1]} : vector<16xi32> to vector<1xi32>
          %squeeze3A = vector.extract %slice3A[0] : i32 from vector<1xi32>
          %gt3A = arith.constant 0 : i32
          %gt3A_184 = arith.cmpi sgt, %squeeze3A, %gt3A : i32
          scf.condition(%gt3A_184) %while3A_182, %while3A_183 : vector<16xi1>, i32
        } do {
        ^bb0(%while3A_182: vector<16xi1>, %while3A_183: i32):
          %all_reduce_ffs3A = tpu.all_reduce %while3A_182 {dim = 0 : i64, kind = #tpu.reduction_kind<find_first_set>} : vector<16xi1> -> vector<16xi32>
          %slice3A = vector.extract_strided_slice %all_reduce_ffs3A {offsets = [0], sizes = [1], strides = [1]} : vector<16xi32> to vector<1xi32>
          %squeeze3A = vector.extract %slice3A[0] : i32 from vector<1xi32>
          %mul3A_184 = arith.constant 16 : i32
          %mul3A_185 = arith.muli %mul3A_184, %while3A_170 : i32
          %add3A_186 = arith.addi %mul3A_185, %squeeze3A : i32
          %broadcast_in_dim3A_187 = vector.broadcast %add3A_186 : i32 to vector<16xi32>
          %gather3A = tpu.vector_load_idx %arg6[%broadcast_in_dim3A_187] : memref<20496xi32, #tpu.memory_space<vmem>>[vector<16xi32>], vector<16xi32>,
          %slice3A_188 = vector.extract_strided_slice %gather3A {offsets = [0], sizes = [1], strides = [1]} : vector<16xi32> to vector<1xi32>
          %squeeze3A_189 = vector.extract %slice3A_188[0] : i32 from vector<1xi32>
          %broadcast_in_dim3A_190 = vector.broadcast %add3A_186 : i32 to vector<16xi32>
          %gather3A_191 = tpu.vector_load_idx %arg7[%broadcast_in_dim3A_190] : memref<20496xi32, #tpu.memory_space<vmem>>[vector<16xi32>], vector<16xi32>,
          %slice3A_192 = vector.extract_strided_slice %gather3A_191 {offsets = [0], sizes = [1], strides = [1]} : vector<16xi32> to vector<1xi32>
          %squeeze3A_193 = vector.extract %slice3A_192[0] : i32 from vector<1xi32>
          %sub3A_194 = arith.subi %squeeze3A_189, %select_n3A : i32
          %broadcast_in_dim3A_195 = vector.broadcast %sub3A_194 : i32 to vector<16xi32>
          %rem3A_196 = arith.constant 16 : i32
          %rem3A_197 = arith.remsi %while3A_183, %rem3A_196 : i32
          %broadcast_in_dim3A_198 = vector.broadcast %rem3A_197 : i32 to vector<16xi32>
          %add3A_199 = arith.constant 0 : i32
          %add3A_200 = vector.broadcast %add3A_199 : i32 to vector<16xi32>
          %add3A_201 = arith.addi %add3A_200, %iota3A : vector<16xi32>
          %gather3A_202 = tpu.vector_load_idx %arg8[%add3A_201, %broadcast_in_dim3A_195] : memref<128x512xf32, #tpu.memory_space<vmem>>[vector<16xi32>, vector<16xi32>], vector<16xf32>,
          %add3A_203 = arith.constant 0 : i32
          %add3A_204 = vector.broadcast %add3A_203 : i32 to vector<16xi32>
          %add3A_205 = arith.addi %add3A_204, %iota3A : vector<16xi32>
          tpu.vector_store_idx %arg9[%broadcast_in_dim3A_198, %add3A_205], %gather3A_202 : memref<16x128xf32, #tpu.memory_space<vmem>>[vector<16xi32>, vector<16xi32>], vector<16xf32>,
          %add3A_206 = arith.constant 16 : i32
          %add3A_207 = vector.broadcast %add3A_206 : i32 to vector<16xi32>
          %add3A_208 = arith.addi %add3A_207, %iota3A : vector<16xi32>
          %gather3A_209 = tpu.vector_load_idx %arg8[%add3A_208, %broadcast_in_dim3A_195] : memref<128x512xf32, #tpu.memory_space<vmem>>[vector<16xi32>, vector<16xi32>], vector<16xf32>,
          %add3A_210 = arith.constant 16 : i32
          %add3A_211 = vector.broadcast %add3A_210 : i32 to vector<16xi32>
          %add3A_212 = arith.addi %add3A_211, %iota3A : vector<16xi32>
          tpu.vector_store_idx %arg9[%broadcast_in_dim3A_198, %add3A_212], %gather3A_209 : memref<16x128xf32, #tpu.memory_space<vmem>>[vector<16xi32>, vector<16xi32>], vector<16xf32>,
          %add3A_213 = arith.constant 32 : i32
          %add3A_214 = vector.broadcast %add3A_213 : i32 to vector<16xi32>
          %add3A_215 = arith.addi %add3A_214, %iota3A : vector<16xi32>
          %gather3A_216 = tpu.vector_load_idx %arg8[%add3A_215, %broadcast_in_dim3A_195] : memref<128x512xf32, #tpu.memory_space<vmem>>[vector<16xi32>, vector<16xi32>], vector<16xf32>,
          %add3A_217 = arith.constant 32 : i32
          %add3A_218 = vector.broadcast %add3A_217 : i32 to vector<16xi32>
          %add3A_219 = arith.addi %add3A_218, %iota3A : vector<16xi32>
          tpu.vector_store_idx %arg9[%broadcast_in_dim3A_198, %add3A_219], %gather3A_216 : memref<16x128xf32, #tpu.memory_space<vmem>>[vector<16xi32>, vector<16xi32>], vector<16xf32>,
          %add3A_220 = arith.constant 48 : i32
          %add3A_221 = vector.broadcast %add3A_220 : i32 to vector<16xi32>
          %add3A_222 = arith.addi %add3A_221, %iota3A : vector<16xi32>
          %gather3A_223 = tpu.vector_load_idx %arg8[%add3A_222, %broadcast_in_dim3A_195] : memref<128x512xf32, #tpu.memory_space<vmem>>[vector<16xi32>, vector<16xi32>], vector<16xf32>,
          %add3A_224 = arith.constant 48 : i32
          %add3A_225 = vector.broadcast %add3A_224 : i32 to vector<16xi32>
          %add3A_226 = arith.addi %add3A_225, %iota3A : vector<16xi32>
          tpu.vector_store_idx %arg9[%broadcast_in_dim3A_198, %add3A_226], %gather3A_223 : memref<16x128xf32, #tpu.memory_space<vmem>>[vector<16xi32>, vector<16xi32>], vector<16xf32>,
          %broadcast_in_dim3A_227 = vector.broadcast %squeeze3A_193 : i32 to vector<16xi32>
          %eq3A = arith.constant 0 : i32
          %eq3A_228 = vector.broadcast %eq3A : i32 to vector<16xi32>
          %eq3A_229 = arith.cmpi eq, %iota3A, %eq3A_228 : vector<16xi32>
          tpu.vector_store_idx %arg10[%broadcast_in_dim3A_198], %broadcast_in_dim3A_227 masked %eq3A_229 : memref<16xi32, #tpu.memory_space<vmem>>[vector<16xi32>], vector<16xi32>, vector<16xi1>
          %add3A_230 = arith.constant 1 : i32
          %add3A_231 = arith.addi %while3A_183, %add3A_230 : i32
          %rem3A_232 = arith.constant 16 : i32
          %rem3A_233 = arith.remsi %add3A_231, %rem3A_232 : i32
          %eq3A_234 = arith.constant 0 : i32
          %eq3A_235 = arith.cmpi eq, %rem3A_233, %eq3A_234 : i32
          %convert_element_type3A = arith.extui %eq3A_235 : i1 to i32
          %cond3A = arith.constant 0 : i32
          %cond3A_236 = arith.cmpi ne, %convert_element_type3A, %cond3A : i32
          scf.if %cond3A_236 {
            %dma_start3A_240 = arith.constant 0 : i32
            %dma_start3A_241 = arith.constant 0 : i32
            %dma_start3A_242 = tpu.memref_slice %arg4[%dma_start3A_240, %dma_start3A_241] : memref<24576x128xf32, #tpu.memory_space<hbm>> -> memref<24576x128xf32, #tpu.memory_space<hbm>>
            tpu.enqueue_indirect_dma source(%arg9 : memref<16x128xf32, #tpu.memory_space<vmem>>) target(%dma_start3A_242 : memref<24576x128xf32, #tpu.memory_space<hbm>>) offsets(%arg10 : memref<16xi32, #tpu.memory_space<vmem>>) semaphore(%arg13 : memref<!tpu.dma_semaphore, #tpu.memory_space<semaphore_mem>>)
            %dma_wait3A_243 = arith.constant 0 : i32
            %dma_wait3A_244 = arith.constant 0 : i32
            %dma_wait3A_245 = tpu.memref_slice %arg4[%dma_wait3A_243, %dma_wait3A_244] : memref<24576x128xf32, #tpu.memory_space<hbm>> -> memref<24576x128xf32, #tpu.memory_space<hbm>>
            tpu.wait_indirect_dma semaphore(%arg13 : memref<!tpu.dma_semaphore, #tpu.memory_space<semaphore_mem>>) src(%arg9 : memref<16x128xf32, #tpu.memory_space<vmem>>) dst(%dma_wait3A_245 : memref<24576x128xf32, #tpu.memory_space<hbm>>)
            %swap3A_246 = arith.constant 0 : index
            %swap3A_247 = tpu.vector_load %arg10[%swap3A_246] {strides = array<i32>} : memref<16xi32, #tpu.memory_space<vmem>>, vector<16xi32>,
            tpu.vector_store %arg10[%swap3A_246], %add3A_9 {strides = array<i32>} : memref<16xi32, #tpu.memory_space<vmem>>, vector<16xi32>,
          } else {
          }
          %ne3A_237 = vector.broadcast %squeeze3A : i32 to vector<16xi32>
          %ne3A_238 = arith.cmpi ne, %iota3A, %ne3A_237 : vector<16xi32>
          %and3A_239 = arith.andi %while3A_182, %ne3A_238 : vector<16xi1>
          scf.yield %and3A_239, %add3A_231 : vector<16xi1>, i32
        }
        scf.yield %while3A_181#1 : i32
      }
      scf.yield %while3A_169 : i32
    }
    %dma_start3A_148 = arith.constant 0 : i32
    %dma_start3A_149 = arith.constant 0 : i32
    %dma_start3A_150 = tpu.memref_slice %arg4[%dma_start3A_148, %dma_start3A_149] : memref<24576x128xf32, #tpu.memory_space<hbm>> -> memref<24576x128xf32, #tpu.memory_space<hbm>>
    tpu.enqueue_indirect_dma source(%arg9 : memref<16x128xf32, #tpu.memory_space<vmem>>) target(%dma_start3A_150 : memref<24576x128xf32, #tpu.memory_space<hbm>>) offsets(%arg10 : memref<16xi32, #tpu.memory_space<vmem>>) semaphore(%arg13 : memref<!tpu.dma_semaphore, #tpu.memory_space<semaphore_mem>>)
    %dma_wait3A_151 = arith.constant 0 : i32
    %dma_wait3A_152 = arith.constant 0 : i32
    %dma_wait3A_153 = tpu.memref_slice %arg4[%dma_wait3A_151, %dma_wait3A_152] : memref<24576x128xf32, #tpu.memory_space<hbm>> -> memref<24576x128xf32, #tpu.memory_space<hbm>>
    tpu.wait_indirect_dma semaphore(%arg13 : memref<!tpu.dma_semaphore, #tpu.memory_space<semaphore_mem>>) src(%arg9 : memref<16x128xf32, #tpu.memory_space<vmem>>) dst(%dma_wait3A_153 : memref<24576x128xf32, #tpu.memory_space<hbm>>)
    %swap3A_154 = arith.constant 0 : index
    %swap3A_155 = tpu.vector_load %arg10[%swap3A_154] {strides = array<i32>} : memref<16xi32, #tpu.memory_space<vmem>>, vector<16xi32>,
    tpu.vector_store %arg10[%swap3A_154], %add3A_9 {strides = array<i32>} : memref<16xi32, #tpu.memory_space<vmem>>, vector<16xi32>,
    return
  }
}

module attributes {stable_mosaic.version = 14 : i64} {
  func.func @_attn_block(%arg0: i32, %arg1: memref<256x24x128xf32, #tpu.memory_space<vmem>>, %arg2: memref<256x20x20xi32, #tpu.memory_space<vmem>>, %arg3: memref<4x64xf32, #tpu.memory_space<vmem>>, %arg4: memref<256x20x64xf32, #tpu.memory_space<vmem>>) attributes {dimension_semantics = [#tpu.dimension_semantics<arbitrary>], iteration_bounds = array<i64: 4>, scalar_prefetch = 0 : i64, scratch_operands = 0 : i64, tpu.core_type = #tpu.core_type<tc>, window_params = [{transform_indices = @transform_0, window_bounds = array<i64: 256, 24, 128>}, {transform_indices = @transform_1, window_bounds = array<i64: 256, 20, 20>}, {pipeline_mode = #tpu.pipeline_mode<synchronous>, transform_indices = @transform_2, window_bounds = array<i64: 4, 64>}, {transform_indices = @transform_3, window_bounds = array<i64: 256, 20, 64>}]} {
    %get3A = arith.constant 0 : index
    %get3A_0 = arith.constant 0 : index
    %get3A_1 = arith.constant 0 : index
    %get3A_2 = vector.load %arg1[%get3A, %get3A_0, %get3A_1] : memref<256x24x128xf32, #tpu.memory_space<vmem>>, vector<256x20x64xf32>
    %get3A_3 = arith.constant 0 : index
    %get3A_4 = arith.constant 0 : index
    %get3A_5 = arith.constant 0 : index
    %get3A_6 = vector.load %arg2[%get3A_3, %get3A_4, %get3A_5] : memref<256x20x20xi32, #tpu.memory_space<vmem>>, vector<256x20x20xi32>
    %get3A_7 = arith.constant 0 : index
    %get3A_8 = arith.constant 0 : index
    %get3A_9 = vector.load %arg3[%get3A_7, %get3A_8] : memref<4x64xf32, #tpu.memory_space<vmem>>, vector<4x64xf32>
    %slice3A = vector.extract_strided_slice %get3A_9 {offsets = [0, 0], sizes = [1, 64], strides = [1, 1]} : vector<4x64xf32> to vector<1x64xf32>
    %squeeze3A = vector.shape_cast %slice3A : vector<1x64xf32> to vector<64xf32>
    %broadcast_in_dim3A = vector.shape_cast %squeeze3A : vector<64xf32> to vector<1x1x64xf32>
    %mul3A = vector.broadcast %broadcast_in_dim3A : vector<1x1x64xf32> to vector<256x20x64xf32>
    %mul3A_10 = arith.mulf %get3A_2, %mul3A : vector<256x20x64xf32>
    %dot_general3A = arith.constant dense<0.000000e+00> : vector<256x20x20xf32>
    %dot_general3A_11 = tpu.matmul %mul3A_10, %get3A_2, %dot_general3A {dimension_numbers = #tpu.dot_dimension_numbers<[2], [2], [1], [1], [0, 0, 0, 1, 1, 1], [0], [0]>, transpose_lhs_hint = false} : vector<256x20x64xf32>, vector<256x20x64xf32>, vector<256x20x20xf32> -> vector<256x20x20xf32>
    %gt3A = arith.constant 0.000000e+00 : f32
    %gt3A_12 = vector.broadcast %gt3A : f32 to vector<256x20x20xf32>
    %gt3A_13 = arith.cmpf ogt, %dot_general3A_11, %gt3A_12 : vector<256x20x20xf32>
    %mul3A_14 = arith.constant 2.000000e-01 : f32
    %mul3A_15 = vector.broadcast %mul3A_14 : f32 to vector<256x20x20xf32>
    %mul3A_16 = arith.mulf %mul3A_15, %dot_general3A_11 : vector<256x20x20xf32>
    %select_n3A = arith.select %gt3A_13, %dot_general3A_11, %mul3A_16 : vector<256x20x20xi1>, vector<256x20x20xf32>
    %slice3A_17 = vector.extract_strided_slice %get3A_9 {offsets = [1, 0], sizes = [1, 64], strides = [1, 1]} : vector<4x64xf32> to vector<1x64xf32>
    %squeeze3A_18 = vector.shape_cast %slice3A_17 : vector<1x64xf32> to vector<64xf32>
    %broadcast_in_dim3A_19 = vector.shape_cast %squeeze3A_18 : vector<64xf32> to vector<1x1x64xf32>
    %mul3A_20 = vector.broadcast %broadcast_in_dim3A_19 : vector<1x1x64xf32> to vector<256x20x64xf32>
    %mul3A_21 = arith.mulf %get3A_2, %mul3A_20 : vector<256x20x64xf32>
    %dot_general3A_22 = arith.constant dense<0.000000e+00> : vector<256x20x20xf32>
    %dot_general3A_23 = tpu.matmul %mul3A_21, %get3A_2, %dot_general3A_22 {dimension_numbers = #tpu.dot_dimension_numbers<[2], [2], [1], [1], [0, 0, 0, 1, 1, 1], [0], [0]>, transpose_lhs_hint = false} : vector<256x20x64xf32>, vector<256x20x64xf32>, vector<256x20x20xf32> -> vector<256x20x20xf32>
    %gt3A_24 = arith.constant 0.000000e+00 : f32
    %gt3A_25 = vector.broadcast %gt3A_24 : f32 to vector<256x20x20xf32>
    %gt3A_26 = arith.cmpf ogt, %dot_general3A_23, %gt3A_25 : vector<256x20x20xf32>
    %mul3A_27 = arith.constant 2.000000e-01 : f32
    %mul3A_28 = vector.broadcast %mul3A_27 : f32 to vector<256x20x20xf32>
    %mul3A_29 = arith.mulf %mul3A_28, %dot_general3A_23 : vector<256x20x20xf32>
    %select_n3A_30 = arith.select %gt3A_26, %dot_general3A_23, %mul3A_29 : vector<256x20x20xi1>, vector<256x20x20xf32>
    %slice3A_31 = vector.extract_strided_slice %get3A_9 {offsets = [2, 0], sizes = [1, 64], strides = [1, 1]} : vector<4x64xf32> to vector<1x64xf32>
    %squeeze3A_32 = vector.shape_cast %slice3A_31 : vector<1x64xf32> to vector<64xf32>
    %broadcast_in_dim3A_33 = vector.shape_cast %squeeze3A_32 : vector<64xf32> to vector<1x1x64xf32>
    %mul3A_34 = vector.broadcast %broadcast_in_dim3A_33 : vector<1x1x64xf32> to vector<256x20x64xf32>
    %mul3A_35 = arith.mulf %get3A_2, %mul3A_34 : vector<256x20x64xf32>
    %dot_general3A_36 = arith.constant dense<0.000000e+00> : vector<256x20x20xf32>
    %dot_general3A_37 = tpu.matmul %mul3A_35, %get3A_2, %dot_general3A_36 {dimension_numbers = #tpu.dot_dimension_numbers<[2], [2], [1], [1], [0, 0, 0, 1, 1, 1], [0], [0]>, transpose_lhs_hint = false} : vector<256x20x64xf32>, vector<256x20x64xf32>, vector<256x20x20xf32> -> vector<256x20x20xf32>
    %gt3A_38 = arith.constant 0.000000e+00 : f32
    %gt3A_39 = vector.broadcast %gt3A_38 : f32 to vector<256x20x20xf32>
    %gt3A_40 = arith.cmpf ogt, %dot_general3A_37, %gt3A_39 : vector<256x20x20xf32>
    %mul3A_41 = arith.constant 2.000000e-01 : f32
    %mul3A_42 = vector.broadcast %mul3A_41 : f32 to vector<256x20x20xf32>
    %mul3A_43 = arith.mulf %mul3A_42, %dot_general3A_37 : vector<256x20x20xf32>
    %select_n3A_44 = arith.select %gt3A_40, %dot_general3A_37, %mul3A_43 : vector<256x20x20xi1>, vector<256x20x20xf32>
    %slice3A_45 = vector.extract_strided_slice %get3A_9 {offsets = [3, 0], sizes = [1, 64], strides = [1, 1]} : vector<4x64xf32> to vector<1x64xf32>
    %squeeze3A_46 = vector.shape_cast %slice3A_45 : vector<1x64xf32> to vector<64xf32>
    %broadcast_in_dim3A_47 = vector.shape_cast %squeeze3A_46 : vector<64xf32> to vector<1x1x64xf32>
    %mul3A_48 = vector.broadcast %broadcast_in_dim3A_47 : vector<1x1x64xf32> to vector<256x20x64xf32>
    %mul3A_49 = arith.mulf %get3A_2, %mul3A_48 : vector<256x20x64xf32>
    %dot_general3A_50 = arith.constant dense<0.000000e+00> : vector<256x20x20xf32>
    %dot_general3A_51 = tpu.matmul %mul3A_49, %get3A_2, %dot_general3A_50 {dimension_numbers = #tpu.dot_dimension_numbers<[2], [2], [1], [1], [0, 0, 0, 1, 1, 1], [0], [0]>, transpose_lhs_hint = false} : vector<256x20x64xf32>, vector<256x20x64xf32>, vector<256x20x20xf32> -> vector<256x20x20xf32>
    %gt3A_52 = arith.constant 0.000000e+00 : f32
    %gt3A_53 = vector.broadcast %gt3A_52 : f32 to vector<256x20x20xf32>
    %gt3A_54 = arith.cmpf ogt, %dot_general3A_51, %gt3A_53 : vector<256x20x20xf32>
    %mul3A_55 = arith.constant 2.000000e-01 : f32
    %mul3A_56 = vector.broadcast %mul3A_55 : f32 to vector<256x20x20xf32>
    %mul3A_57 = arith.mulf %mul3A_56, %dot_general3A_51 : vector<256x20x20xf32>
    %select_n3A_58 = arith.select %gt3A_54, %dot_general3A_51, %mul3A_57 : vector<256x20x20xi1>, vector<256x20x20xf32>
    %eq3A = arith.constant 1 : i32
    %eq3A_59 = vector.broadcast %eq3A : i32 to vector<256x20x20xi32>
    %eq3A_60 = arith.cmpi eq, %get3A_6, %eq3A_59 : vector<256x20x20xi32>
    %jit3A = arith.constant -9.000000e+15 : f32
    %broadcast_in_dim3A_61 = vector.broadcast %jit3A : f32 to vector<256x20x20xf32>
    %select_n3A_62 = arith.select %eq3A_60, %select_n3A, %broadcast_in_dim3A_61 : vector<256x20x20xi1>, vector<256x20x20xf32>
    %eq3A_63 = arith.constant 2 : i32
    %eq3A_64 = vector.broadcast %eq3A_63 : i32 to vector<256x20x20xi32>
    %eq3A_65 = arith.cmpi eq, %get3A_6, %eq3A_64 : vector<256x20x20xi32>
    %select_n3A_66 = arith.select %eq3A_65, %select_n3A_30, %select_n3A_62 : vector<256x20x20xi1>, vector<256x20x20xf32>
    %eq3A_67 = arith.constant 3 : i32
    %eq3A_68 = vector.broadcast %eq3A_67 : i32 to vector<256x20x20xi32>
    %eq3A_69 = arith.cmpi eq, %get3A_6, %eq3A_68 : vector<256x20x20xi32>
    %select_n3A_70 = arith.select %eq3A_69, %select_n3A_44, %select_n3A_66 : vector<256x20x20xi1>, vector<256x20x20xf32>
    %eq3A_71 = arith.constant 4 : i32
    %eq3A_72 = vector.broadcast %eq3A_71 : i32 to vector<256x20x20xi32>
    %eq3A_73 = arith.cmpi eq, %get3A_6, %eq3A_72 : vector<256x20x20xi32>
    %select_n3A_74 = arith.select %eq3A_73, %select_n3A_58, %select_n3A_70 : vector<256x20x20xi1>, vector<256x20x20xf32>
    %reduce_max3A = arith.constant dense<0xFF800000> : vector<256x20xf32>
    %reduce_max3A_75 = vector.multi_reduction <maximumf>, %select_n3A_74, %reduce_max3A [2] : vector<256x20x20xf32> to vector<256x20xf32>
    %broadcast_in_dim3A_76 = vector.shape_cast %reduce_max3A_75 : vector<256x20xf32> to vector<256x20x1xf32>
    %sub3A = vector.broadcast %broadcast_in_dim3A_76 : vector<256x20x1xf32> to vector<256x20x20xf32>
    %sub3A_77 = arith.subf %select_n3A_74, %sub3A : vector<256x20x20xf32>
    %exp3A = math.exp %sub3A_77 : vector<256x20x20xf32>
    %reduce_sum3A = arith.constant dense<0.000000e+00> : vector<256x20xf32>
    %reduce_sum3A_78 = vector.multi_reduction <add>, %exp3A, %reduce_sum3A [2] : vector<256x20x20xf32> to vector<256x20xf32>
    %broadcast_in_dim3A_79 = vector.shape_cast %reduce_sum3A_78 : vector<256x20xf32> to vector<256x20x1xf32>
    %div3A = vector.broadcast %broadcast_in_dim3A_79 : vector<256x20x1xf32> to vector<256x20x20xf32>
    %div3A_80 = arith.divf %exp3A, %div3A : vector<256x20x20xf32>
    %dot_general3A_81 = arith.constant dense<0.000000e+00> : vector<256x20x64xf32>
    %dot_general3A_82 = tpu.matmul %div3A_80, %get3A_2, %dot_general3A_81 {dimension_numbers = #tpu.dot_dimension_numbers<[2], [1], [1], [2], [0, 0, 0, 1, 1, 2], [0], [0]>, transpose_lhs_hint = false} : vector<256x20x20xf32>, vector<256x20x64xf32>, vector<256x20x64xf32> -> vector<256x20x64xf32>
    %swap3A = arith.constant 0 : index
    %swap3A_83 = arith.constant 0 : index
    %swap3A_84 = arith.constant 0 : index
    %swap3A_85 = vector.load %arg4[%swap3A, %swap3A_83, %swap3A_84] : memref<256x20x64xf32, #tpu.memory_space<vmem>>, vector<256x20x64xf32>
    tpu.vector_store %arg4[%swap3A, %swap3A_83, %swap3A_84], %dot_general3A_82 {strides = array<i32>} : memref<256x20x64xf32, #tpu.memory_space<vmem>>, vector<256x20x64xf32>,
    return
  }
  func.func @transform_0(%arg0: i32) -> (i32, i32, i32) {
    %c0_i32 = arith.constant 0 : i32
    %c0_i32_0 = arith.constant 0 : i32
    %c0_i32_1 = arith.constant 0 : i32
    return %arg0, %c0_i32, %c0_i32_0 : i32, i32, i32
  }
  func.func @transform_1(%arg0: i32) -> (i32, i32, i32) {
    %c0_i32 = arith.constant 0 : i32
    %c0_i32_0 = arith.constant 0 : i32
    %c0_i32_1 = arith.constant 0 : i32
    return %arg0, %c0_i32, %c0_i32_0 : i32, i32, i32
  }
  func.func @transform_2(%arg0: i32) -> (i32, i32) {
    %c0_i32 = arith.constant 0 : i32
    %c0_i32_0 = arith.constant 0 : i32
    %c0_i32_1 = arith.constant 0 : i32
    return %c0_i32, %c0_i32_0 : i32, i32
  }
  func.func @transform_3(%arg0: i32) -> (i32, i32, i32) {
    %c0_i32 = arith.constant 0 : i32
    %c0_i32_0 = arith.constant 0 : i32
    %c0_i32_1 = arith.constant 0 : i32
    return %arg0, %c0_i32, %c0_i32_0 : i32, i32, i32
  }
}

</mosaic_0001>

<sc_bundles>
// kernel: kernel.4.cloned.1.call-start
scs
__scs_entry_jumppad:
0x0: {  	(pc) =	sbr.rel $0x88, $3  }
0x1: {  	(tag) =	ssettag $0x0;
	lr =	simm.s32 $0x1  }
0x2: {  	[smem:$0x3F9A] =	sst lr;
	_ =	strace $0xD0000000  }
0x3: {  	_ = 	snop  }
0x4: {  	_ = 	snop  }
0x5: {  	_ = 	snop  }
0x6: {  	_ = 	snop  }
0x7: {  	_ = 	snop  }
__scs_overlays_trampoline_lowered:
0x8: {  	[smem:$0x3FA9] =	sst s0  }
0x9: {  	[smem:$0x3FAA] =	sst s1  }
0xa: {  	[smem:$0x3FAB] =	sst s2  }
0xb: {  	[smem:$0x3FAC] =	sst s3  }
0xc: {  	[smem:$0x3FAD] =	sst s4  }
0xd: {  	[smem:$0x3FAE] =	sst s5  }
0xe: {  	[smem:$0x3FAF] =	sst s6  }
0xf: {  	[smem:$0x3FB0] =	sst s7  }
0x10: {  	[smem:$0x3FB1] =	sst s8  }
0x11: {  	[smem:$0x3FB2] =	sst s9;
	s0 =	simm.s32 @!p0 $0x0  }
0x12: {  	s1 =	sld [smem:$0x3F98];
	s0 =	simm.s32 @p0 $0x1  }
0x13: {  	[smem:$0x3FB3] =	sst s0;
	s0 =	simm.s32 @!p1 $0x0  }
0x14: {  	s2 =	sld [smem:$0x3F97];
	s0 =	simm.s32 @p1 $0x1  }
0x15: {  	[smem:$0x3FB4] =	sst s0;
	s0 =	simm.s32 @!p2 $0x0  }
0x16: {  	s3 =	sld [smem:$0x3FDB];
	s0 =	simm.s32 @p2 $0x1  }
0x17: {  	s4 =	simm.s32 $0x1BF5;
	[smem:$0x3FB6] =	sst s0  }
0x18: {  	s0 =	sld [smem:$0x3F99];
	_ =	swait.ge [sflag:s4], $0x0  }
0x19: {  	s7 =	sld [smem:$0x3F9A]  }
0x1a: {  	s8 =	sadd.s32 $0xFFFFE003, lr  }
0x1b: {  	s9 =	sadd.s32 $0xFFFFFEF7, lr;
	s5 =	simm.s32 $0xFFFFFFFF;
	p2 =	slt.u32 s8, $0xFFFFF086  }
0x1c: {  	p1 =	slt.u32 s9, $0xF7A;
	s5 =	simm.s32 @!p2 $0x0  }
0x1d: {  	s5 =	simm.s32 @p1 $0x1;
	p0 =	seq.s32 s7, s2  }
0x1e: {  	s7 =	smul.u32 @!p0 $0xF7A, s2;
	p2 =	seq.s32 @!p0 s5, $0x0  }
0x1f: {  	s9 =	smul.u32 $0xF7A, s1;
	s8 =	simm.s32 @!p0 $0x1BF5;
	p2 =	por !p2, p0  }
0x20: {  	[sflag:s8] =	ssyncset.s32 @!p0 $0xFFFFF086;
	s6 =	sadd.s32 @!p0 s3, s7;
	s7 =	simm.s32 @!p0 $0x108  }
0x21: {  	s3 =	sadd.s32 s3, s9;
	s6 =	sadd.s32 @!p0 $0x88, s6;
	s7 =	simm.s32 @p2 $0x1082  }
0x22: {  	[simem:s7], [sflag:s8] =	dma.local @!p0 [hbm:s6], $0xF7A  }
0x23: {  	s9 =	sor.u32 $0xD0000000, s2;
	s6 =	simm.s32 $0x108;
	_ =	swait.ge @!p0 [sflag:s8], $0x0  }
0x24: {  	s3 =	sadd.s32 $0x88, s3;
	s6 =	simm.s32 @!p1 $0x1082;
	[sflag:s4] =	ssyncset.s32 $0xFFFFF086  }
0x25: {  	[simem:s6], [sflag:s4] =	dma.local [hbm:s3], $0xF7A  }
0x26: {  	[smem:$0x3F9A] =	sst s1;
	(tag) =	ssettag s2;
	_ =	strace s9  }
0x27: {  	s1 =	sld [smem:$0x3FAA]  }
0x28: {  	s2 =	sld [smem:$0x3FAB]  }
0x29: {  	s4 =	sld [smem:$0x3FAD]  }
0x2a: {  	p0 =	seq.s32 s5, $0x0;
	s5 =	sld [smem:$0x3FAE]  }
0x2b: {  	s6 =	sld [smem:$0x3FAF]  }
0x2c: {  	s7 =	sld [smem:$0x3FB0]  }
0x2d: {  	s3 =	simm.s32 $0x108;
	s8 =	sld [smem:$0x3FB1]  }
0x2e: {  	s3 =	simm.s32 @!p0 $0x1082;
	s9 =	sld [smem:$0x3FB2]  }
0x2f: {  	lr =	sadd.s32 s0, s3;
	s0 =	sld [smem:$0x3FA9]  }
0x30: {  	s3 =	sld [smem:$0x3FAC]  }
0x31: {  	[smem:$0x3FB5] =	sst s10  }
0x32: {  	s10 =	sld [smem:$0x3FB3];
	_ =	sdelay $0x3  }
0x33: {  	p0 =	seq.s32 s10, $0x1;
	s10 =	sld [smem:$0x3FB5];
	_ =	sdelay $0x3  }
0x34: {  	[smem:$0x3FB5] =	sst s10  }
0x35: {  	s10 =	sld [smem:$0x3FB4];
	_ =	sdelay $0x3  }
0x36: {  	p1 =	seq.s32 s10, $0x1;
	s10 =	sld [smem:$0x3FB5];
	_ =	sdelay $0x3  }
0x37: {  	[smem:$0x3FB5] =	sst s10  }
0x38: {  	s10 =	sld [smem:$0x3FB6]  }
0x39: {  	_ = 	snop;
	(pc) =	sbr.ind lr, $3  }
0x3a: {  	_ = 	snop  }
0x3b: {  	_ = 	snop  }
0x3c: {  	p2 =	seq.s32 s10, $0x1;
	s10 =	sld [smem:$0x3FB5]  }
0x3d: {  	_ =	shalt  }
0x3e: {  	_ =	shalt  }
0x3f: {  	_ =	shalt  }
0x40: {  	_ =	shalt  }
0x41: {  	_ =	shalt  }
0x42: {  	_ =	shalt  }
0x43: {  	_ =	shalt  }
0x44: {  	_ =	shalt  }
0x45: {  	_ =	shalt  }
0x46: {  	_ =	shalt  }
0x47: {  	_ =	shalt  }
0x48: {  	_ =	shalt  }
0x49: {  	_ =	shalt  }
0x4a: {  	_ =	shalt  }
0x4b: {  	_ =	shalt  }
0x4c: {  	_ =	shalt  }
0x4d: {  	_ =	shalt  }
0x4e: {  	_ =	shalt  }
0x4f: {  	_ =	shalt  }
0x50: {  	_ =	shalt  }
0x51: {  	_ =	shalt  }
0x52: {  	_ =	shalt  }
0x53: {  	_ =	shalt  }
0x54: {  	_ =	shalt  }
0x55: {  	_ =	shalt  }
0x56: {  	_ =	shalt  }
0x57: {  	_ =	shalt  }
0x58: {  	_ =	shalt  }
0x59: {  	_ =	shalt  }
0x5a: {  	_ =	shalt  }
0x5b: {  	_ =	shalt  }
0x5c: {  	_ =	shalt  }
0x5d: {  	_ =	shalt  }
0x5e: {  	_ =	shalt  }
0x5f: {  	_ =	shalt  }
0x60: {  	_ =	shalt  }
0x61: {  	_ =	shalt  }
0x62: {  	_ =	shalt  }
0x63: {  	_ =	shalt  }
0x64: {  	_ =	shalt  }
0x65: {  	_ =	shalt  }
0x66: {  	_ =	shalt  }
0x67: {  	_ =	shalt  }
0x68: {  	_ =	shalt  }
0x69: {  	_ =	shalt  }
0x6a: {  	_ =	shalt  }
0x6b: {  	_ =	shalt  }
0x6c: {  	_ =	shalt  }
0x6d: {  	_ =	shalt  }
0x6e: {  	_ =	shalt  }
0x6f: {  	_ =	shalt  }
0x70: {  	_ =	shalt  }
0x71: {  	_ =	shalt  }
0x72: {  	_ =	shalt  }
0x73: {  	_ =	shalt  }
0x74: {  	_ =	shalt  }
0x75: {  	_ =	shalt  }
0x76: {  	_ =	shalt  }
0x77: {  	_ =	shalt  }
0x78: {  	_ =	shalt  }
0x79: {  	_ =	shalt  }
0x7a: {  	_ =	shalt  }
0x7b: {  	_ =	shalt  }
0x7c: {  	_ =	shalt  }
0x7d: {  	_ =	shalt  }
0x7e: {  	_ =	shalt  }
0x7f: {  	_ =	shalt  }
0x80: {  	_ =	shalt  }
0x81: {  	_ =	shalt  }
0x82: {  	_ =	shalt  }
0x83: {  	_ =	shalt  }
0x84: {  	_ =	shalt  }
0x85: {  	_ =	shalt  }
0x86: {  	_ =	shalt  }
0x87: {  	_ =	shalt  }
.Lfunc_end0:
.L_simem_size_0:
called_computation_lowered:
.L_overlay_start_0:
0x88: {  	s2 =	sld [smem:$0x3FD9]  }
0x89: {  	s3 =	sld [smem:$0x3FFE];
	_ =	sdelay $0x1  }
0x8a: {  	s1 =	srdreg.scid  }
0x8b: {  	s0 =	sand.u32 $0x1, s1  }
0x8c: {  	s14 =	sshll.u32 s0, $0xA;
	s2 =	sadd.s32 s3, s2  }
0x8d: {  	s2 =	sadd.s32 s2, s14  }
0x8e: {  	[smem:$0x3FC1] =	sst s2  }
0x8f: {  	_ = 	snop  }
0x90: {  	s2 =	sld [smem:$0x3FD0];
	_ =	sdelay $0x2  }
0x91: {  	s4 =	simm.s32 $0xA;
	s5 =	simm.s32 $0x10;
	s15 =	sld [smem:$0x3FC7]  }
0x92: {  	[smem:s5], [sflag:s4] =	dma.local [hbm:s2], $0x1  }
0x93: {  	_ =	swait.eq [sflag:s4], $0x1  }
0x94: {  	[sflag:s4] =	ssyncset.done $0x0  }
0x95: {  	[sflag:s4] =	ssyncadd.s32 $0xFFFFFFFF  }
0x96: {  	s16 =	sld [smem:$0x10];
	(tm) =	ssettm $0x1  }
0x97: {  	s17 =	sld [smem:$0x3FFB];
	_ =	sdelay $0x3  }
0x98: {  	_ =	strace s17  }
0x99: {  	s4 =	sld [smem:$0x3FFC];
	_ =	sdelay $0x3  }
0x9a: {  	_ =	strace s4  }
0x9b: {  	s4 =	sld [smem:$0x3FFD];
	_ =	sdelay $0x3  }
0x9c: {  	_ =	strace s4  }
0x9d: {  	_ =	strace $0x8FFFFFFF  }
0x9e: {  	s18 =	sld [smem:$0x3FDB];
	_ =	sdelay $0x1  }
0x9f: {  	s19 =	simm.s32 $_scs_section_size  }
0xa0: {  	s6 =	simm.s32 $_size__tile_overlayer_lowered;
	s7 =	simm.s32 $_tile_overlayer_lowered  }
0xa1: {  	s22 =	simm.s32 $0x1BFF;
	s21 =	sshll.u32 s7, $0x1;
	s4 =	sadd.s32 s19, s18  }
0xa2: {  	s8 =	simm.s32 $0x0;
	s20 =	sshll.u32 s6, $0x1;
	s6 =	sadd.s32 s21, s4  }
0xa3: {  	[timem:s8], [sflag:s22] =	dma.local [hbm:s6], s20  }
0xa4: {  	_ =	swait.ge [sflag:s22], s20  }
0xa5: {  	s5 =	ssub.s32 $0x0, s20;
	[sflag:s22] =	ssyncset.done $0x0  }
0xa6: {  	[sflag:s22] =	ssyncadd.s32 s5;
	_ =	sdelay $0x1  }
0xa7: {  	s23 =	simm.s32 $0x1B8B  }
0xa8: {  	_ =	swait.ge [sflag:s23], $0x1  }
0xa9: {  	[sflag:s23] =	ssyncset.done $0x0  }
0xaa: {  	s25 =	simm.s32 $0x1B8E;
	s24 =	sld [smem:$0x3FFE];
	[sflag:s23] =	ssyncadd.s32 $0xFFFFFFFF  }
0xab: {  	s26 =	simm.s32 $execute0_lowered;
	[smem:$0x3FD2] =	sst s25  }
0xac: {  	s6 =	sshll.u32 s26, $0x1;
	_ =	strace $0x80000046;
	[dreg:$0x1] =	wrdreg $0xFFFFFFFF  }
0xad: {  	s28 =	simm.s32 $_size_execute0_lowered;
	s4 =	sadd.s32 s4, s6;
	[dreg:$0x0] =	wrdreg $0x0  }
0xae: {  	s6 =	sshll.u32 s28, $0x1;
	[dreg:$0x2] =	wrdreg s4  }
0xaf: {  	[dreg:$0x3] =	wrdreg s6  }
0xb0: {  	[dreg:$0x4] =	wrdreg $0xC0  }
0xb1: {  	_ =	task [dreg:s8], $0x5FFFF  }
0xb2: {  	[dreg:$0x1] =	wrdreg $0xFFFFFFFF  }
0xb3: {  	[dreg:$0x0] =	wrdreg $0x60  }
0xb4: {  	[dreg:$0x2] =	wrdreg s16  }
0xb5: {  	[dreg:$0x3] =	wrdreg s15  }
0xb6: {  	[dreg:$0x4] =	wrdreg s24  }
0xb7: {  	[dreg:$0x5] =	wrdreg $0x9  }
0xb8: {  	_ =	task.clear_ibuf [dreg:s8], $0x6FFFF;
	_ =	strace $0x90000046  }
0xb9: {  	s29 =	simm.s32 $0x9;
	_ =	strace $0x80000048  }
0xba: {  	_ =	swait.ge [sflag:s29], $0x1  }
0xbb: {  	[sflag:s29] =	ssyncadd.s32 $0xFFFFFFFF  }
0xbc: {  	_ =	strace $0x90000048  }
0xbd: {  	_ =	sfence  }
0xbe: {  	s30 =	sld [smem:$0x0];
	_ =	sdelay $0x2  }
0xbf: {  	s31 =	sshll.u32 s1, $0xD;
	s1 =	sshrl.u32 s1, $0x2  }
0xc0: {  	s3 =	sand.u32 $0x4000, s31;
	s1 =	sadd.s32 s1, s30  }
0xc1: {  	s0 =	sor.u32 s3, s0;
	s1 =	sshll.u32 s1, $0x11  }
0xc2: {  	s0 =	sor.u32 s1, s0  }
0xc3: {  	s0 =	sadd.s32 $0x8F2B, s0  }
0xc4: {  	[sflag:s0] =	ssyncadd.remote.s32 $0x1  }
0xc5: {  	_ =	sfence.sel $0xFFFF  }
0xc6: {  	[dreg:$0x0] =	wrdreg $0xFFFFFFFF;
	(pc) =	sbr.abs _section_cstart, $3  }
0xc7: {  	[dreg:$0x1] =	wrdreg $0xFFFFFFFF  }
0xc8: {  	_ =	task.clear_ibuf [dreg:s8], $0x2FFFF;
	_ =	strace $0x9FFFFFFF  }
0xc9: {  	(tm) =	ssettm $0x7FFFFFFF  }
tec
execute0_lowered:
.L_overlay_start_1:
0x0: {  	(tag) =	ssettag $0x1  }
0x1: {  	v1 =	vlaneseq.u32;
	v9 =	vimm.s32 $0x0  }
0x2: {  	v10 =	vimm.s32 $0x7FFFFFFF;
	v11 =	vimm.s32 $0x1380;
	vm14 =	vcmask $0x300  }
0x3: {  	vm13 =	vcmask $0x704;
	v12 =	vimm.s32 $0x3380;
	vm12 =	vcmask $0xB08  }
0x4: {  	vm11 =	vcmask $0xF0C;
	vm10 =	vcmask $0x1310;
	vm9 =	vcmask $0x1714  }
0x5: {  	vm8 =	vcmask $0x1B18;
	vm7 =	vcmask $0x1F1C;
	vm6 =	vcmask $0x2320  }
0x6: {  	vm5 =	vcmask $0x2724;
	vm4 =	vcmask $0x2B28;
	vm3 =	vcmask $0x2F2C  }
0x7: {  	vm2 =	vcmask $0x3330;
	vm1 =	vcmask $0x3734;
	vm0 =	vcmask $0x3B38  }
0x8: {  	v14 =	vimm.s32 $0x5380;
	v15 =	vimm.s32 $0x7380;
	v16 =	vimm.s32 $0x9380  }
0x9: {  	v19 =	vimm.s32 $0xB380;
	v20 =	vimm.s32 $0xD380;
	v21 =	vimm.s32 $0xF380  }
0xa: {  	v7 =	vmul.u32 $0x18, v1;
	v8 =	vmul.u32 $0xFFFFFFFF, v1;
	v11 =	vsel vm14, $0x0, v11  }
0xb: {  	v12 =	vsel vm14, $0x2000, v12;
	v13 =	vor.u32 $0x10, v1;
	v14 =	vsel vm14, $0x4000, v14  }
0xc: {  	v15 =	vsel vm14, $0x6000, v15;
	v16 =	vsel vm14, $0x8000, v16;
	v19 =	vsel vm14, $0xA000, v19  }
0xd: {  	v20 =	vsel vm14, $0xC000, v20;
	v21 =	vsel vm14, $0xE000, v21;
	v11 =	vsel vm13, $0x80, v11  }
0xe: {  	v12 =	vsel vm13, $0x2080, v12;
	v14 =	vsel vm13, $0x4080, v14;
	v15 =	vsel vm13, $0x6080, v15  }
0xf: {  	v16 =	vsel vm13, $0x8080, v16;
	v19 =	vsel vm13, $0xA080, v19;
	v20 =	vsel vm13, $0xC080, v20  }
0x10: {  	v21 =	vsel vm13, $0xE080, v21;
	v7 =	vadd.s32 $0x5E94, v7;
	v11 =	vsel vm12, $0x100, v11  }
0x11: {  	s0 =	srdreg.scid;
	s1 =	stileid.u32;
	v12 =	vsel vm12, $0x2100, v12;
	v14 =	vsel vm12, $0x4100, v14;
	v15 =	vsel vm12, $0x6100, v15  }
0x12: {  	s6 =	sand.u32 $0x1, s0;
	s23 =	sshll.u32 s1, $0x1;
	v16 =	vsel vm12, $0x8100, v16;
	v19 =	vsel vm12, $0xA100, v19;
	v20 =	vsel vm12, $0xC100, v20  }
0x13: {  	s0 =	sor.u32 s6, s23;
	v21 =	vsel vm12, $0xE100, v21;
	v11 =	vsel vm11, $0x180, v11;
	v12 =	vsel vm11, $0x2180, v12  }
0x14: {  	s2 =	smul.u32 $0x7A00, s0;
	v14 =	vsel vm11, $0x4180, v14;
	v15 =	vsel vm11, $0x6180, v15;
	v16 =	vsel vm11, $0x8180, v16  }
0x15: {  	v19 =	vsel vm11, $0xA180, v19;
	v20 =	vsel vm11, $0xC180, v20;
	v21 =	vsel vm11, $0xE180, v21  }
0x16: {  	s24 =	sshll.u32 s0, $0x7;
	v0 =	vmov s2;
	v11 =	vsel vm10, $0x200, v11;
	v12 =	vsel vm10, $0x2200, v12  }
0x17: {  	p0 =	slt.u32 s0, $0x5;
	s1 =	sor.u32 $0xF4000, s24;
	v14 =	vsel vm10, $0x4200, v14;
	v15 =	vsel vm10, $0x6200, v15;
	v16 =	vsel vm10, $0x8200, v16  }
0x18: {  	s1 =	simm.s32 @!p0 $0x0;
	s3 =	sadd.s32 $0x7A00, s2;
	v19 =	vsel vm10, $0xA200, v19;
	v20 =	vsel vm10, $0xC200, v20;
	v21 =	vsel vm10, $0xE200, v21  }
0x19: {  	v2 =	vmov s3;
	v3 =	vmov s1;
	v11 =	vsel vm9, $0x280, v11  }
0x1a: {  	v12 =	vsel vm9, $0x2280, v12;
	v14 =	vsel vm9, $0x4280, v14;
	v15 =	vsel vm9, $0x6280, v15  }
0x1b: {  	s4 =	sadd.s32 $0x80, s1;
	s3 =	sadd.s32 $0x7800, s2;
	v16 =	vsel vm9, $0x8280, v16;
	v19 =	vsel vm9, $0xA280, v19;
	v20 =	vsel vm9, $0xC280, v20  }
0x1c: {  	v21 =	vsel vm9, $0xE280, v21;
	v5 =	vmov s3;
	v6 =	vmov s4  }
0x1d: {  	v11 =	vsel vm8, $0x300, v11;
	v12 =	vsel vm8, $0x2300, v12;
	v14 =	vsel vm8, $0x4300, v14  }
0x1e: {  	v15 =	vsel vm8, $0x6300, v15;
	v16 =	vsel vm8, $0x8300, v16;
	v19 =	vsel vm8, $0xA300, v19  }
0x1f: {  	v20 =	vsel vm8, $0xC300, v20;
	v21 =	vsel vm8, $0xE300, v21;
	v11 =	vsel vm7, $0x380, v11  }
0x20: {  	s5 =	smov.u32 s4;
	v12 =	vsel vm7, $0x2380, v12;
	v14 =	vsel vm7, $0x4380, v14;
	v15 =	vsel vm7, $0x6380, v15  }
0x21: {  	s5 =	simm.s32 @!p0 $0x0;
	v16 =	vsel vm7, $0x8380, v16;
	v19 =	vsel vm7, $0xA380, v19;
	v20 =	vsel vm7, $0xC380, v20  }
0x22: {  	v21 =	vsel vm7, $0xE380, v21;
	v4 =	vmov s5;
	v11 =	vsel vm6, $0x1000, v11  }
0x23: {  	v12 =	vsel vm6, $0x3000, v12;
	v14 =	vsel vm6, $0x5000, v14;
	v15 =	vsel vm6, $0x7000, v15  }
0x24: {  	v16 =	vsel vm6, $0x9000, v16;
	v19 =	vsel vm6, $0xB000, v19;
	v20 =	vsel vm6, $0xD000, v20  }
0x25: {  	v21 =	vsel vm6, $0xF000, v21;
	v11 =	vsel vm5, $0x1080, v11;
	v12 =	vsel vm5, $0x3080, v12  }
0x26: {  	v14 =	vsel vm5, $0x5080, v14;
	v15 =	vsel vm5, $0x7080, v15;
	v16 =	vsel vm5, $0x9080, v16  }
0x27: {  	v19 =	vsel vm5, $0xB080, v19;
	v20 =	vsel vm5, $0xD080, v20;
	v21 =	vsel vm5, $0xF080, v21  }
0x28: {  	v11 =	vsel vm4, $0x1100, v11;
	v12 =	vsel vm4, $0x3100, v12;
	v14 =	vsel vm4, $0x5100, v14  }
0x29: {  	v15 =	vsel vm4, $0x7100, v15;
	v16 =	vsel vm4, $0x9100, v16;
	v19 =	vsel vm4, $0xB100, v19  }
0x2a: {  	s25 =	rddreg [dreg:$0x2];
	s7 =	simm.s32 $0x0;
	s17 =	simm.s32 $0x7A1400;
	v20 =	vsel vm4, $0xD100, v20;
	v21 =	vsel vm4, $0xF100, v21;
	v11 =	vsel vm3, $0x1180, v11  }
0x2b: {  	s15 =	simm.s32 $0x1000;
	s18 =	simm.s32 $0xF100;
	s19 =	simm.s32 $0x17100;
	v12 =	vsel vm3, $0x3180, v12;
	v14 =	vsel vm3, $0x5180, v14;
	v15 =	vsel vm3, $0x7180, v15  }
0x2c: {  	s20 =	simm.s32 $0x4;
	s21 =	simm.s32 $0x1;
	s22 =	simm.s32 $0x5000;
	v16 =	vsel vm3, $0x9180, v16;
	v19 =	vsel vm3, $0xB180, v19;
	v20 =	vsel vm3, $0xD180, v20  }
0x2d: {  	s30 =	simm.s32 $0x0;
	[smem:$0x7FF] =	sst s7;
	s6 =	ssub.s32 $0x2, s6;
	v21 =	vsel vm3, $0xF180, v21;
	v11 =	vsel vm2, $0x1200, v11;
	v12 =	vsel vm2, $0x3200, v12  }
0x2e: {  	s9 =	sadd.s32 $0xE00, s25;
	s8 =	smul.u32 $0x3D000, s0;
	s10 =	sshrl.u32 s6, $0x1;
	v14 =	vsel vm2, $0x5200, v14;
	v17 =	vsel vm2, $0x7200, v15;
	v16 =	vsel vm2, $0x9200, v16  }
0x2f: {  	s25 =	simm.s32 $0x1F900;
	s23 =	simm.s32 $0xA080;
	s26 =	ssub.s32 s6, s10;
	v15 =	vor.u32 $0x20, v1;
	v19 =	vsel vm2, $0xB200, v19;
	v20 =	vsel vm2, $0xD200, v20  }
0x30: {  	s24 =	simm.s32 $0x1F100;
	s11 =	sshrl.u32 s8, $0x3;
	s14 =	sadd.s32 $0x2000, s8;
	v21 =	vsel vm2, $0xF200, v21;
	v11 =	vsel vm1, $0x1280, v11;
	v12 =	vsel vm1, $0x3280, v12  }
.Ltmp0:
0x31: {  	s4 =	smax.u32 s26, $0x1;
	s5 =	rddreg [dreg:$0x1];
	v14 =	vsel vm1, $0x5280, v14;
	v17 =	vsel vm1, $0x7280, v17;
	v18 =	vsel vm1, $0x9280, v16;
	(pc) =	sbr.rel .LBB2_1-.Ltmp0, $4  }
0x32: {  	_ =	strace $0x80000047;
	[dreg:$0x7] =	wrdreg s4;
	s29 =	sadd.s32 s5, s2;
	v19 =	vsel vm1, $0xB280, v19;
	v20 =	vsel vm1, $0xD280, v20;
	v21 =	vsel vm1, $0xF280, v21  }
0x33: {  	s28 =	sadd.s32 s5, s11;
	s31 =	sadd.s32 s5, s3;
	[dreg:$0x4] =	wrdreg s29;
	v11 =	vsel vm0, $0x1300, v11;
	v12 =	vsel vm0, $0x3300, v12;
	v14 =	vsel vm0, $0x5300, v14  }
0x34: {  	s26 =	simm.s32 $0x2;
	s6 =	sadd.s32 $0x200, s28;
	[dreg:$0x6] =	wrdreg s31;
	v16 =	vsel vm0, $0x7300, v17;
	v17 =	vor.u32 $0x30, v1;
	v18 =	vsel vm0, $0x9300, v18  }
0x35: {  	p0 =	sgt.u32 s0, $0x4;
	s13 =	sadd.s32 s5, s1;
	[dreg:$0x5] =	wrdreg s6;
	v19 =	vsel vm0, $0xB300, v19;
	v20 =	vsel vm0, $0xD300, v20;
	v21 =	vsel vm0, $0xF300, v21  }
.LBB2_20:
0x36: {  	s0 =	simm.s32 $0x10;
	s29 =	simm.s32 $0x3  }
0x37: {  	[hbm4b:s9+s0] =	stream.indirect.scatter [tilespmem:s24], [sflag:$0x3], $0x80, s25, s0, $0xb8;
	[tilespmem:$0x1F980] =	vst v63  }
0x38: {  	_ =	swait.ge [sflag:s29], $0x800  }
0x39: {  	s30 =	sadd.s32 $0x1, s30;
	s31 =	rddreg [dreg:$0x7]  }
0x3a: {  	p1 =	sne.s32 s30, s31  }
.Ltmp1:
0x3b: {  	_ = 	snop;
	(pc) =	sbr.rel @!p1 .LBB2_21-.Ltmp1, $4  }
0x3c: {  	_ = 	snop  }
0x3d: {  	[sflag:s29] =	ssyncset.done $0x0  }
0x3e: {  	[sflag:s29] =	ssyncadd.s32 $0xFFFFF800  }
0x3f: {  	[tilespmem:$0x1F900] =	vst v7  }
.LBB2_1:
0x40: {  	s0 =	rddreg [dreg:$0x4]  }
0x41: {  	[tilespmem:s18], [sflag:$0x1] =	stream.strided.gather [hbm4b:s0+s15], $0x8000, s17, s15, $0x38;
	[tilespmem:$0x1F980] =	vst v63  }
0x42: {  	s29 =	rddreg [dreg:$0x5]  }
0x43: {  	[tilespmem:s19], [sflag:$0x2] =	stream.strided.gather [hbm4b:s29+s15], $0x8000, s17, s15, $0x38;
	[tilespmem:$0x1F980] =	vst v63  }
0x44: {  	s31 =	rddreg [dreg:$0x0]  }
0x45: {  	[tilespmem:s7], [sflag:$0x4] =	stream.linear.gather [hbm4b:s31+s7], $0x5000, $0x38;
	[tilespmem:$0x1F980] =	vst v63  }
0x46: {  	_ =	swait.ge [sflag:s20], $0x5000  }
0x47: {  	[sflag:s20] =	ssyncset.done $0x0  }
0x48: {  	[sflag:s20] =	ssyncadd.s32 $0xFFFFB000  }
0x49: {  	v22 =	vor.u32 s7, v1;
	[tilespmem:$0x1F900] =	vst v7  }
0x4a: {  	v23 =	vmulhi.u32 $0xCCCCCCCD, v22;
	v24 =	vld [tilespmem:s7+$0x0];
	_ =	sdelay $0x1  }
0x4b: {  	v23 =	vshrl.u32 v23, $0x4  }
0x4c: {  	v25 =	vmov s7;
	v26 =	vmul.u32 $0xFFFFFFEC, v23  }
0x4d: {  	v27 =	vsub.s32 v8, v25  }
0x4e: {  	vm0 =	veq.s32 v25, v1;
	vm1 =	vne.s32 v26, v27;
	vm2 =	vge.s32 v24, v0  }
0x4f: {  	vm3 =	vlt.s32 v24, v2;
	vm14 =	vge.s32 v24, v3;
	vm4 =	vlt.s32 v24, v4  }
0x50: {  	vm0 =	vmand vm0, vm1;
	vm15 =	vmand vm2, vm3;
	vm1 =	vmand vm14, vm4  }
0x51: {  	v62 =	vsel vm0, $0xFFFFFFFF, v9;
	vm0 =	vmor vm15, vm1  }
0x52: {  	v63 =	vmpcnt.ones.xlane vm0;
	_ =	sdelay $0x1  }
0x53: {  	(v2sf) =	vpush v63, $0x0  }
0x54: {  	v23 =	vadd.s32 v62, v23  }
0x55: {  	v23 =	vshll.u32 v23, $0x2  }
0x56: {  	v22 =	vadd.s32 v22, v23;
	[tilespmem:s7+$0x5000] =	vst.msk vm0, v24  }
0x57: {  	s0 =	simm.s32 $0x10;
	[tilespmem:s7+$0xA080] =	vst.msk vm0, v22  }
0x58: {  	v22 =	vld [tilespmem:s0+$0x0]  }
0x59: {  	s6 =	simm.s32 $0x20;
	s4 =	simm.s32 $0x0;
	s10 =	simm.s32 $0x10;
	v23 =	vor.u32 s0, v1  }
.LBB2_2:
0x5a: {  	p1 =	sne.s32 s6, $0x4FF0;
	v24 =	vmulhi.u32 $0xCCCCCCCD, v23  }
0x5b: {  	v25 =	vmov s0;
	s0 =	smov.u32 s6  }
0x5c: {  	vm0 =	veq.s32 v25, v1;
	v24 =	vshrl.u32 v24, $0x4  }
0x5d: {  	v25 =	vsub.s32 v8, v25;
	v26 =	vmul.u32 $0xFFFFFFEC, v24;
	vm1 =	vge.s32 v22, v0  }
0x5e: {  	vm2 =	vlt.s32 v22, v2;
	vm3 =	vge.s32 v22, v3;
	vm4 =	vlt.s32 v22, v4  }
0x5f: {  	vm1 =	vmand vm1, vm2;
	vm2 =	vmand vm3, vm4;
	vm5 =	vne.s32 v26, v25  }
0x60: {  	vm1 =	vmor vm1, vm2;
	vm0 =	vmand vm0, vm5  }
0x61: {  	v26 =	vmpcnt.ones.xlane vm1;
	v25 =	vsel vm0, $0xFFFFFFFF, v9  }
0x62: {  	v24 =	vadd.s32 v25, v24;
	s11 =	spop (v2sf)  }
0x63: {  	v24 =	vshll.u32 v24, $0x2;
	(v2sf) =	vpush v26, $0x0;
	s4 =	sadd.s32 s4, s11  }
0x64: {  	v23 =	vadd.s32 v23, v24;
	[tilespmem:s4+$0x5000] =	vst.msk vm1, v22  }
.Ltmp2:
0x65: {  	[tilespmem:s4+$0xA080] =	vst.msk vm1, v23;
	(pc) =	sbr.rel @p1 .LBB2_2-.Ltmp2, $4  }
0x66: {  	_ = 	snop  }
0x67: {  	s10 =	sadd.s32 $0x10, s10  }
0x68: {  	v22 =	vld [tilespmem:s10+$0x0]  }
0x69: {  	s6 =	sadd.s32 $0x10, s6;
	v23 =	vor.u32 s0, v1  }
0x6a: {  	_ =	sdelay $0x2  }
0x6b: {  	vm0 =	vge.s32 v22, v0  }
0x6c: {  	vm1 =	vlt.s32 v22, v2;
	vm2 =	vge.s32 v22, v3;
	vm3 =	vlt.s32 v22, v4  }
0x6d: {  	vm0 =	vmand vm0, vm1;
	vm13 =	vmand vm2, vm3  }
0x6e: {  	vm0 =	vmor vm0, vm13  }
0x6f: {  	v24 =	vmpcnt.ones.xlane vm0;
	_ =	sdelay $0x1  }
0x70: {  	(v2sf) =	vpush v24, $0x0;
	_ =	sdelay $0xb  }
0x71: {  	v62 =	vmulhi.u32 $0xCCCCCCCD, v23;
	_ =	sdelay $0x1  }
0x72: {  	s6 =	spop (v2sf);
	v24 =	vshrl.u32 v62, $0x4  }
0x73: {  	v25 =	vmov s0;
	v26 =	vmul.u32 $0xFFFFFFEC, v24;
	s12 =	sadd.s32 s4, s6;
	s16 =	spop (v2sf)  }
0x74: {  	v27 =	vsub.s32 v8, v25;
	s4 =	sadd.s32 s12, s16  }
0x75: {  	vm14 =	veq.s32 v25, v1;
	vm15 =	vne.s32 v26, v27;
	s28 =	sadd.s32 $0xF, s4  }
0x76: {  	vm1 =	vmand vm14, vm15;
	s10 =	sand.u32 $0xF, s28  }
0x77: {  	v63 =	vsel vm1, $0xFFFFFFFF, v9;
	s29 =	sshra.s32 s28, $0x1F;
	p2 =	slt.s32 s28, $0x1;
	p1 =	sne.s32 s10, $0x0  }
.Ltmp3:
0x78: {  	v24 =	vadd.s32 v63, v24;
	s10 =	sshrl.u32 s29, $0x1C;
	p1 =	por !p2, !p1;
	(pc) =	sbr.rel .LBB2_4-.Ltmp3, $4  }
0x79: {  	v24 =	vshll.u32 v24, $0x2;
	s6 =	sadd.s32 s10, s28;
	s10 =	simm.s32 $0x1;
	p1 =	por !p1, !p1  }
0x7a: {  	[tilespmem:s12+$0x5000] =	vst.msk vm0, v22;
	v23 =	vadd.s32 v23, v24;
	s6 =	sshra.s32 s6, $0x4;
	s10 =	simm.s32 @!p1 $0x0  }
0x7b: {  	[tilespmem:s12+$0xA080] =	vst.msk vm0, v23;
	s31 =	ssub.s32 s6, s10  }
0x7c: {  	s0 =	simm.s32 $0x0;
	[tilespmem:s4+$0x5000] =	vst v10;
	s6 =	simm.s32 $0x0;
	p1 =	slt.s32 s31, $0x1  }
.LBB2_14:
0x7d: {  	s4 =	sshll.u32 s0, $0x1  }
0x7e: {  	s4 =	sadd.s32 $0x3, s4  }
0x7f: {  	s0 =	sadd.s32 $0x1, s0;
	p2 =	seq.s32 s4, $0x3D;
	s4 =	sshll.u32 s4, $0xC  }
0x80: {  	s4 =	simm.s32 @p2 $0x0;
	p2 =	sne.s32 s0, $0x1E  }
.Ltmp4:
0x81: {  	_ = 	snop;
	(pc) =	sbr.rel @!p2 .LBB2_15-.Ltmp4, $4  }
0x82: {  	s4 =	sadd.s32 s8, s4  }
0x83: {  	s4 =	sshrl.u32 s4, $0x3  }
0x84: {  	s4 =	sadd.s32 s5, s4  }
0x85: {  	[tilespmem:s19], [sflag:$0x2] =	stream.strided.gather [hbm4b:s4+s15], $0x8000, s17, s15, $0x38;
	[tilespmem:$0x1F980] =	vst v63  }
.LBB2_4:
.Ltmp5:
0x86: {  	(pc) =	sbr.rel @p1 .LBB2_9-.Ltmp5, $4  }
0x87: {  	_ = 	snop  }
0x88: {  	_ =	swait.ge [sflag:s21], $0x8000  }
0x89: {  	[sflag:s21] =	ssyncset.done $0x0  }
0x8a: {  	s4 =	sshll.u32 s0, $0xA;
	[sflag:s21] =	ssyncadd.s32 $0xFFFF8000  }
.Ltmp6:
0x8b: {  	(pc) =	sbr.rel .LBB2_6-.Ltmp6, $4  }
0x8c: {  	_ = 	snop  }
0x8d: {  	s28 =	sadd.s32 s2, s4  }
0x8e: {  	s10 =	sadd.s32 $0x200, s28  }
0x8f: {  	v22 =	vmov s28;
	v23 =	vmov s10;
	s10 =	simm.s32 $0x0  }
.LBB2_8:
0x90: {  	s10 =	sadd.s32 $0x1, s10  }
0x91: {  	p2 =	sne.s32 s10, s31  }
.Ltmp7:
0x92: {  	_ = 	snop;
	(pc) =	sbr.rel @!p2 .LBB2_9-.Ltmp7, $1  }
0x93: {  	_ =	sdelay $0x3  }
.LBB2_6:
0x94: {  	s11 =	sshll.u32 s10, $0x4  }
0x95: {  	v24 =	vld [tilespmem:s11+$0x5000];
	_ =	sdelay $0x4  }
0x96: {  	vm0 =	vge.s32 v24, v22;
	vm1 =	vlt.s32 v24, v23  }
0x97: {  	vm0 =	vmand vm0, vm1  }
0x98: {  	v63 =	vmpcnt.ones.xlane vm0;
	_ =	sdelay $0x1  }
0x99: {  	(v2sf) =	vpush v63, $0x0;
	_ =	sdelay $0xe  }
0x9a: {  	s12 =	spop (v2sf)  }
0x9b: {  	p2 =	slt.s32 s12, $0x1  }
.Ltmp8:
0x9c: {  	_ = 	snop;
	(pc) =	sbr.rel @p2 .LBB2_8-.Ltmp8, $1  }
0x9d: {  	_ =	sdelay $0x3  }
.LBB2_7:
0x9e: {  	v24 =	vmctz.xlane vm0;
	_ =	sdelay $0x1  }
0x9f: {  	(v2sf) =	vpush v24, $0x0;
	_ =	sdelay $0xe  }
0xa0: {  	s12 =	spop (v2sf)  }
0xa1: {  	s12 =	sadd.s32 s11, s12  }
0xa2: {  	v25 =	vmov s12;
	_ =	sdelay $0x4  }
0xa3: {  	v26 =	vld.idx.msk [tilespmem:v25+s22+$0x0], $0xffff;
	_ =	sdelay $0x4  }
0xa4: {  	(v2sf) =	vpush v26, $0x0;
	_ =	sdelay $0xe  }
0xa5: {  	s16 =	spop (v2sf)  }
0xa6: {  	s12 =	ssub.s32 s16, s28  }
0xa7: {  	v58 =	vmov s12  }
0xa8: {  	v27 =	vshll.u32 v58, $0x3  }
0xa9: {  	s29 =	sshra.s32 s6, $0x1F;
	v26 =	vand.u32 $0x7F, v58;
	v27 =	vand.u32 $0xFFFFFC00, v27  }
0xaa: {  	s12 =	sshrl.u32 s29, $0x1C;
	v26 =	vor.u32 v26, v27  }
0xab: {  	s12 =	sadd.s32 s12, s6;
	v27 =	vadd.s32 v11, v26  }
0xac: {  	s12 =	sand.u32 $0xFFFFFFF0, s12  }
0xad: {  	s12 =	ssub.s32 s6, s12  }
0xae: {  	v28 =	vmov s12  }
0xaf: {  	v29 =	vshll.u32 v28, $0x7  }
0xb0: {  	v30 =	vor.u32 v1, v29;
	v27 =	vld.idx.msk [tilespmem:v27+s18+$0x0], $0xffff  }
0xb1: {  	v31 =	vadd.s32 v12, v26;
	_ =	sdelay $0x3  }
0xb2: {  	v25 =	vld.idx.msk [tilespmem:v25+s23+$0x0], $0xffff;
	[tilespmem:v30+s24+$0x0] =	vst.idx.msk $0xffff, v27  }
0xb3: {  	v59 =	vor.u32 v13, v29;
	v27 =	vld.idx.msk [tilespmem:v31+s18+$0x0], $0xffff  }
0xb4: {  	v60 =	vadd.s32 v14, v26;
	_ =	sdelay $0x3  }
0xb5: {  	[tilespmem:v59+s24+$0x0] =	vst.idx.msk $0xffff, v27  }
0xb6: {  	v61 =	vor.u32 v15, v29;
	v27 =	vld.idx.msk [tilespmem:v60+s18+$0x0], $0xffff  }
0xb7: {  	v26 =	vadd.s32 v16, v26;
	_ =	sdelay $0x3  }
0xb8: {  	[tilespmem:v61+s24+$0x0] =	vst.idx.msk $0xffff, v27  }
0xb9: {  	v62 =	vor.u32 v17, v29;
	v26 =	vld.idx.msk [tilespmem:v26+s18+$0x0], $0xffff;
	_ =	sdelay $0x2  }
0xba: {  	s6 =	sadd.s32 $0x1, s6  }
0xbb: {  	v24 =	vbroadcast v24, $0x0;
	v25 =	vbroadcast v25, $0x0;
	s16 =	sand.u32 $0xF, s6  }
0xbc: {  	p2 =	sne.s32 s16, $0x0;
	[tilespmem:v62+s24+$0x0] =	vst.idx.msk $0xffff, v26  }
0xbd: {  	vm1 =	vne.s32 v24, v1;
	s12 =	simm.s32 @!p2 $0x10;
	s16 =	simm.s32 @!p2 $0x1F900;
	s29 =	simm.s32 @!p2 $0x1F100;
	[tilespmem:v28+s25+$0x0] =	vst.idx.msk $0x1, v25  }
0xbe: {  	vm0 =	vmand vm0, vm1;
	[hbm4b:s9+s12] =	stream.indirect.scatter @!p2 [tilespmem:s29], [sflag:$0x3], $0x80, s16, s12, $0xb8;
	[tilespmem:$0x1F980] =	vst v63  }
0xbf: {  	v63 =	vmpcnt.ones.xlane vm0;
	s12 =	simm.s32 @!p2 $0x3  }
0xc0: {  	_ =	swait.ge @!p2 [sflag:s12], $0x800  }
0xc1: {  	(v2sf) =	vpush v63, $0x0;
	_ =	sdelay $0xe  }
0xc2: {  	s29 =	spop (v2sf)  }
0xc3: {  	p3 =	sgt.s32 s29, $0x0  }
.Ltmp9:
0xc4: {  	v24 =	vlaneseq.u32 @!p2;
	(pc) =	sbr.rel @p3 .LBB2_7-.Ltmp9, $4  }
0xc5: {  	v24 =	vmul.u32 @!p2 $0x18, v24  }
0xc6: {  	[sflag:s12] =	ssyncset.done @!p2 $0x0  }
0xc7: {  	v24 =	vadd.s32 @!p2 $0x5E94, v24;
	[sflag:s12] =	ssyncadd.s32 @!p2 $0xFFFFF800  }
0xc8: {  	[tilespmem:$0x1F900] =	vst @!p2 v24  }
.Ltmp10:
0xc9: {  	_ = 	snop;
	(pc) =	sbr.rel .LBB2_8-.Ltmp10, $1  }
0xca: {  	_ =	sdelay $0x3  }
.LBB2_9:
0xcb: {  	s10 =	sshll.u32 s0, $0xD  }
0xcc: {  	s10 =	sadd.s32 s14, s10  }
0xcd: {  	s10 =	sshrl.u32 s10, $0x3  }
.Ltmp11:
0xce: {  	s10 =	sadd.s32 s5, s10;
	(pc) =	sbr.rel @p1 .LBB2_14-.Ltmp11, $4  }
0xcf: {  	[tilespmem:s18], [sflag:$0x1] =	stream.strided.gather [hbm4b:s10+s15], $0x8000, s17, s15, $0x38;
	[tilespmem:$0x1F980] =	vst v63  }
0xd0: {  	_ =	swait.ge [sflag:s26], $0x8000  }
0xd1: {  	[sflag:s26] =	ssyncset.done $0x0  }
0xd2: {  	[sflag:s26] =	ssyncadd.s32 $0xFFFF8000  }
.Ltmp12:
0xd3: {  	(pc) =	sbr.rel .LBB2_11-.Ltmp12, $4  }
0xd4: {  	s4 =	sadd.s32 s4, s2  }
0xd5: {  	s4 =	sadd.s32 $0x200, s4  }
0xd6: {  	s10 =	sadd.s32 $0x200, s4  }
0xd7: {  	v22 =	vmov s4;
	v23 =	vmov s10;
	s10 =	simm.s32 $0x0  }
.LBB2_13:
0xd8: {  	s10 =	sadd.s32 $0x1, s10  }
0xd9: {  	p2 =	sne.s32 s10, s31  }
.Ltmp13:
0xda: {  	_ = 	snop;
	(pc) =	sbr.rel @!p2 .LBB2_14-.Ltmp13, $1  }
0xdb: {  	_ =	sdelay $0x3  }
.LBB2_11:
0xdc: {  	s11 =	sshll.u32 s10, $0x4  }
0xdd: {  	v24 =	vld [tilespmem:s11+$0x5000];
	_ =	sdelay $0x4  }
0xde: {  	vm0 =	vge.s32 v24, v22;
	vm1 =	vlt.s32 v24, v23  }
0xdf: {  	vm0 =	vmand vm0, vm1  }
0xe0: {  	v63 =	vmpcnt.ones.xlane vm0;
	_ =	sdelay $0x1  }
0xe1: {  	(v2sf) =	vpush v63, $0x0;
	_ =	sdelay $0xe  }
0xe2: {  	s12 =	spop (v2sf)  }
0xe3: {  	p2 =	slt.s32 s12, $0x1  }
.Ltmp14:
0xe4: {  	_ = 	snop;
	(pc) =	sbr.rel @p2 .LBB2_13-.Ltmp14, $1  }
0xe5: {  	_ =	sdelay $0x3  }
.LBB2_12:
0xe6: {  	v24 =	vmctz.xlane vm0;
	_ =	sdelay $0x1  }
0xe7: {  	(v2sf) =	vpush v24, $0x0;
	_ =	sdelay $0xe  }
0xe8: {  	s12 =	spop (v2sf)  }
0xe9: {  	s12 =	sadd.s32 s11, s12  }
0xea: {  	v25 =	vmov s12;
	_ =	sdelay $0x4  }
0xeb: {  	v26 =	vld.idx.msk [tilespmem:v25+s22+$0x0], $0xffff;
	_ =	sdelay $0x4  }
0xec: {  	(v2sf) =	vpush v26, $0x0;
	_ =	sdelay $0xe  }
0xed: {  	s29 =	spop (v2sf)  }
0xee: {  	s12 =	ssub.s32 s29, s4  }
0xef: {  	v58 =	vmov s12  }
0xf0: {  	v27 =	vshll.u32 v58, $0x3  }
0xf1: {  	s16 =	sshra.s32 s6, $0x1F;
	v26 =	vand.u32 $0x7F, v58;
	v27 =	vand.u32 $0xFFFFFC00, v27  }
0xf2: {  	s12 =	sshrl.u32 s16, $0x1C;
	v26 =	vor.u32 v26, v27  }
0xf3: {  	s12 =	sadd.s32 s12, s6;
	v27 =	vadd.s32 v18, v26  }
0xf4: {  	s12 =	sand.u32 $0xFFFFFFF0, s12  }
0xf5: {  	s12 =	ssub.s32 s6, s12  }
0xf6: {  	v28 =	vmov s12  }
0xf7: {  	v29 =	vshll.u32 v28, $0x7  }
0xf8: {  	v30 =	vor.u32 v1, v29;
	v27 =	vld.idx.msk [tilespmem:v27+s18+$0x0], $0xffff  }
0xf9: {  	v31 =	vadd.s32 v19, v26;
	_ =	sdelay $0x3  }
0xfa: {  	v25 =	vld.idx.msk [tilespmem:v25+s23+$0x0], $0xffff;
	[tilespmem:v30+s24+$0x0] =	vst.idx.msk $0xffff, v27  }
0xfb: {  	v59 =	vor.u32 v13, v29;
	v27 =	vld.idx.msk [tilespmem:v31+s18+$0x0], $0xffff  }
0xfc: {  	v60 =	vadd.s32 v20, v26;
	_ =	sdelay $0x3  }
0xfd: {  	[tilespmem:v59+s24+$0x0] =	vst.idx.msk $0xffff, v27  }
0xfe: {  	v61 =	vor.u32 v15, v29;
	v27 =	vld.idx.msk [tilespmem:v60+s18+$0x0], $0xffff  }
0xff: {  	v26 =	vadd.s32 v21, v26;
	_ =	sdelay $0x3  }
0x100: {  	[tilespmem:v61+s24+$0x0] =	vst.idx.msk $0xffff, v27  }
0x101: {  	v62 =	vor.u32 v17, v29;
	v26 =	vld.idx.msk [tilespmem:v26+s18+$0x0], $0xffff;
	_ =	sdelay $0x2  }
0x102: {  	s6 =	sadd.s32 $0x1, s6  }
0x103: {  	v24 =	vbroadcast v24, $0x0;
	v25 =	vbroadcast v25, $0x0;
	s28 =	sand.u32 $0xF, s6  }
0x104: {  	p2 =	sne.s32 s28, $0x0;
	[tilespmem:v62+s24+$0x0] =	vst.idx.msk $0xffff, v26  }
0x105: {  	vm1 =	vne.s32 v24, v1;
	s12 =	simm.s32 @!p2 $0x10;
	s16 =	simm.s32 @!p2 $0x1F900;
	s28 =	simm.s32 @!p2 $0x1F100;
	[tilespmem:v28+s25+$0x0] =	vst.idx.msk $0x1, v25  }
0x106: {  	vm0 =	vmand vm0, vm1;
	[hbm4b:s9+s12] =	stream.indirect.scatter @!p2 [tilespmem:s28], [sflag:$0x3], $0x80, s16, s12, $0xb8;
	[tilespmem:$0x1F980] =	vst v63  }
0x107: {  	v63 =	vmpcnt.ones.xlane vm0;
	s12 =	simm.s32 @!p2 $0x3  }
0x108: {  	_ =	swait.ge @!p2 [sflag:s12], $0x800  }
0x109: {  	(v2sf) =	vpush v63, $0x0;
	_ =	sdelay $0xe  }
0x10a: {  	s29 =	spop (v2sf)  }
0x10b: {  	p3 =	sgt.s32 s29, $0x0  }
.Ltmp15:
0x10c: {  	v24 =	vlaneseq.u32 @!p2;
	(pc) =	sbr.rel @p3 .LBB2_12-.Ltmp15, $4  }
0x10d: {  	v24 =	vmul.u32 @!p2 $0x18, v24  }
0x10e: {  	[sflag:s12] =	ssyncset.done @!p2 $0x0  }
0x10f: {  	v24 =	vadd.s32 @!p2 $0x5E94, v24;
	[sflag:s12] =	ssyncadd.s32 @!p2 $0xFFFFF800  }
0x110: {  	[tilespmem:$0x1F900] =	vst @!p2 v24  }
.Ltmp16:
0x111: {  	_ = 	snop;
	(pc) =	sbr.rel .LBB2_13-.Ltmp16, $1  }
0x112: {  	_ =	sdelay $0x3  }
.LBB2_15:
0x113: {  	_ =	swait.ge [sflag:s21], $0x8000  }
0x114: {  	[sflag:s21] =	ssyncset.done $0x0  }
0x115: {  	[sflag:s21] =	ssyncadd.s32 $0xFFFF8000  }
0x116: {  	_ =	swait.ge [sflag:s26], $0x8000  }
0x117: {  	p1 =	sgt.s32 s31, $0x0;
	[sflag:s26] =	ssyncset.done $0x0  }
.Ltmp17:
0x118: {  	s0 =	rddreg [dreg:$0x6];
	[sflag:s26] =	ssyncadd.s32 $0xFFFF8000;
	(pc) =	sbr.rel @p1 .LBB2_22-.Ltmp17, $4  }
0x119: {  	[tilespmem:s18], [sflag:$0x4] =	stream.strided.gather [hbm4b:s0+s15], $0x8000, s17, s15, $0x38;
	[tilespmem:$0x1F980] =	vst v63  }
0x11a: {  	_ =	swait.ge [sflag:s20], $0x8000  }
0x11b: {  	[sflag:s20] =	ssyncset.done $0x0  }
0x11c: {  	s0 =	simm.s32 $0x0;
	[sflag:s20] =	ssyncadd.s32 $0xFFFF8000  }
.LBB2_16:
0x11d: {  	s0 =	simm.s32 @!p0 $0x0;
	s4 =	simm.s32 @!p0 $0xF100  }
0x11e: {  	[tilespmem:s4], [sflag:$0x4] =	stream.linear.gather @!p0 [hbm4b:s13+s0], $0x400, $0x38;
	[tilespmem:$0x1F980] =	vst v63  }
0x11f: {  	s10 =	simm.s32 @!p0 $0x10100;
	s4 =	sadd.s32 @!p0 $0xF4280, s13  }
0x120: {  	[tilespmem:s10], [sflag:$0x4] =	stream.linear.gather @!p0 [hbm4b:s4+s0], $0x400, $0x38;
	[tilespmem:$0x1F980] =	vst v63  }
0x121: {  	s4 =	sadd.s32 @!p0 $0x1E8500, s13;
	s10 =	simm.s32 @!p0 $0x11100  }
0x122: {  	[tilespmem:s10], [sflag:$0x4] =	stream.linear.gather @!p0 [hbm4b:s4+s0], $0x400, $0x38;
	[tilespmem:$0x1F980] =	vst v63  }
0x123: {  	s4 =	sadd.s32 @!p0 $0x2DC780, s13;
	s10 =	simm.s32 @!p0 $0x12100  }
0x124: {  	[tilespmem:s10], [sflag:$0x4] =	stream.linear.gather @!p0 [hbm4b:s4+s0], $0x400, $0x38;
	[tilespmem:$0x1F980] =	vst v63  }
0x125: {  	s4 =	sadd.s32 @!p0 $0x3D0A00, s13;
	s10 =	simm.s32 @!p0 $0x13100  }
0x126: {  	[tilespmem:s10], [sflag:$0x4] =	stream.linear.gather @!p0 [hbm4b:s4+s0], $0x400, $0x38;
	[tilespmem:$0x1F980] =	vst v63  }
0x127: {  	s4 =	sadd.s32 @!p0 $0x4C4C80, s13;
	s10 =	simm.s32 @!p0 $0x14100  }
0x128: {  	[tilespmem:s10], [sflag:$0x4] =	stream.linear.gather @!p0 [hbm4b:s4+s0], $0x400, $0x38;
	[tilespmem:$0x1F980] =	vst v63  }
0x129: {  	p1 =	sgt.s32 @!p0 s31, $0x0;
	s4 =	sadd.s32 @!p0 $0x5B8F00, s13;
	s10 =	simm.s32 @!p0 $0x15100  }
0x12a: {  	[tilespmem:s10], [sflag:$0x4] =	stream.linear.gather @!p0 [hbm4b:s4+s0], $0x400, $0x38;
	[tilespmem:$0x1F980] =	vst v63  }
0x12b: {  	p1 =	por p0, !p1;
	s4 =	sadd.s32 @!p0 $0x6AD180, s13;
	s10 =	simm.s32 @!p0 $0x16100  }
0x12c: {  	[tilespmem:s10], [sflag:$0x4] =	stream.linear.gather @!p0 [hbm4b:s4+s0], $0x400, $0x38;
	[tilespmem:$0x1F980] =	vst v63  }
.Ltmp18:
0x12d: {  	_ = 	snop;
	(pc) =	sbr.rel @!p1 .LBB2_17-.Ltmp18, $4  }
.Ltmp19:
0x12e: {  	s4 =	simm.s32 @!p0 $0x4;
	(pc) =	sbr.rel @p1 .LBB2_20-.Ltmp19, $4  }
0x12f: {  	_ =	swait.ge @!p0 [sflag:s4], $0x2000  }
0x130: {  	[sflag:s4] =	ssyncset.done @!p0 $0x0  }
0x131: {  	[sflag:s4] =	ssyncadd.s32 @!p0 $0xFFFFE000  }
0x132: {  	_ = 	snop  }
.LBB2_24:
0x133: {  	s0 =	sadd.s32 $0x1, s0  }
0x134: {  	p1 =	seq.s32 s0, s31  }
.Ltmp20:
0x135: {  	_ = 	snop;
	(pc) =	sbr.rel @p1 .LBB2_16-.Ltmp20, $1  }
0x136: {  	_ =	sdelay $0x3  }
.LBB2_22:
0x137: {  	s4 =	sshll.u32 s0, $0x4  }
0x138: {  	v22 =	vld [tilespmem:s4+$0x5000];
	_ =	sdelay $0x4  }
0x139: {  	vm0 =	vge.s32 v22, v5;
	vm1 =	vlt.s32 v22, v2  }
0x13a: {  	vm0 =	vmand vm0, vm1  }
0x13b: {  	v22 =	vmpcnt.ones.xlane vm0;
	_ =	sdelay $0x1  }
0x13c: {  	(v2sf) =	vpush v22, $0x0;
	_ =	sdelay $0xe  }
0x13d: {  	s10 =	spop (v2sf)  }
0x13e: {  	p1 =	slt.s32 s10, $0x1  }
.Ltmp21:
0x13f: {  	_ = 	snop;
	(pc) =	sbr.rel @p1 .LBB2_24-.Ltmp21, $1  }
0x140: {  	_ =	sdelay $0x3  }
.LBB2_23:
0x141: {  	v22 =	vmctz.xlane vm0;
	_ =	sdelay $0x1  }
0x142: {  	(v2sf) =	vpush v22, $0x0;
	_ =	sdelay $0xe  }
0x143: {  	s10 =	spop (v2sf)  }
0x144: {  	s10 =	sadd.s32 s4, s10  }
0x145: {  	v23 =	vmov s10;
	_ =	sdelay $0x4  }
0x146: {  	v24 =	vld.idx.msk [tilespmem:v23+s22+$0x0], $0xffff;
	_ =	sdelay $0x4  }
0x147: {  	(v2sf) =	vpush v24, $0x0;
	_ =	sdelay $0xe  }
0x148: {  	s12 =	spop (v2sf)  }
0x149: {  	s10 =	ssub.s32 s12, s3  }
0x14a: {  	v59 =	vmov s10  }
0x14b: {  	v25 =	vshll.u32 v59, $0x3  }
0x14c: {  	s16 =	sshra.s32 s6, $0x1F;
	v24 =	vand.u32 $0x7F, v59;
	v25 =	vand.u32 $0xFFFFFC00, v25  }
0x14d: {  	s10 =	sshrl.u32 s16, $0x1C;
	v24 =	vor.u32 v24, v25  }
0x14e: {  	s10 =	sadd.s32 s10, s6;
	v25 =	vadd.s32 v11, v24  }
0x14f: {  	s10 =	sand.u32 $0xFFFFFFF0, s10  }
0x150: {  	s10 =	ssub.s32 s6, s10  }
0x151: {  	v26 =	vmov s10  }
0x152: {  	v27 =	vshll.u32 v26, $0x7  }
0x153: {  	v28 =	vor.u32 v1, v27;
	v25 =	vld.idx.msk [tilespmem:v25+s18+$0x0], $0xffff  }
0x154: {  	v29 =	vadd.s32 v12, v24;
	_ =	sdelay $0x3  }
0x155: {  	v23 =	vld.idx.msk [tilespmem:v23+s23+$0x0], $0xffff;
	[tilespmem:v28+s24+$0x0] =	vst.idx.msk $0xffff, v25  }
0x156: {  	v60 =	vor.u32 v13, v27;
	v25 =	vld.idx.msk [tilespmem:v29+s18+$0x0], $0xffff  }
0x157: {  	v61 =	vadd.s32 v14, v24;
	_ =	sdelay $0x3  }
0x158: {  	[tilespmem:v60+s24+$0x0] =	vst.idx.msk $0xffff, v25  }
0x159: {  	v62 =	vor.u32 v15, v27;
	v25 =	vld.idx.msk [tilespmem:v61+s18+$0x0], $0xffff  }
0x15a: {  	v24 =	vadd.s32 v16, v24;
	_ =	sdelay $0x3  }
0x15b: {  	[tilespmem:v62+s24+$0x0] =	vst.idx.msk $0xffff, v25  }
0x15c: {  	v63 =	vor.u32 v17, v27;
	v24 =	vld.idx.msk [tilespmem:v24+s18+$0x0], $0xffff;
	_ =	sdelay $0x2  }
0x15d: {  	s6 =	sadd.s32 $0x1, s6  }
0x15e: {  	v22 =	vbroadcast v22, $0x0;
	v23 =	vbroadcast v23, $0x0;
	s28 =	sand.u32 $0xF, s6  }
0x15f: {  	p1 =	sne.s32 s28, $0x0;
	[tilespmem:v63+s24+$0x0] =	vst.idx.msk $0xffff, v24  }
0x160: {  	vm1 =	vne.s32 v22, v1;
	s10 =	simm.s32 @!p1 $0x10;
	s11 =	simm.s32 @!p1 $0x1F900;
	s12 =	simm.s32 @!p1 $0x1F100;
	[tilespmem:v26+s25+$0x0] =	vst.idx.msk $0x1, v23  }
0x161: {  	vm0 =	vmand vm0, vm1;
	[hbm4b:s9+s10] =	stream.indirect.scatter @!p1 [tilespmem:s12], [sflag:$0x3], $0x80, s11, s10, $0xb8;
	[tilespmem:$0x1F980] =	vst v63  }
0x162: {  	v22 =	vmpcnt.ones.xlane vm0;
	s10 =	simm.s32 @!p1 $0x3  }
0x163: {  	_ =	swait.ge @!p1 [sflag:s10], $0x800  }
0x164: {  	(v2sf) =	vpush v22, $0x0;
	_ =	sdelay $0xe  }
0x165: {  	s29 =	spop (v2sf)  }
0x166: {  	p2 =	sgt.s32 s29, $0x0  }
.Ltmp22:
0x167: {  	v22 =	vlaneseq.u32 @!p1;
	(pc) =	sbr.rel @p2 .LBB2_23-.Ltmp22, $4  }
0x168: {  	v22 =	vmul.u32 @!p1 $0x18, v22  }
0x169: {  	[sflag:s10] =	ssyncset.done @!p1 $0x0  }
0x16a: {  	[sflag:s10] =	ssyncadd.s32 @!p1 $0xFFFFF800;
	v22 =	vadd.s32 @!p1 $0x5E94, v22  }
0x16b: {  	[tilespmem:$0x1F900] =	vst @!p1 v22  }
.Ltmp23:
0x16c: {  	_ = 	snop;
	(pc) =	sbr.rel .LBB2_24-.Ltmp23, $1  }
0x16d: {  	_ =	sdelay $0x3  }
.LBB2_19:
0x16e: {  	s0 =	sadd.s32 $0x1, s0  }
0x16f: {  	p1 =	sne.s32 s0, s31  }
.Ltmp24:
0x170: {  	_ = 	snop;
	(pc) =	sbr.rel @!p1 .LBB2_20-.Ltmp24, $1  }
0x171: {  	_ =	sdelay $0x3  }
.LBB2_17:
0x172: {  	s4 =	sshll.u32 s0, $0x4  }
0x173: {  	v22 =	vld [tilespmem:s4+$0x5000];
	_ =	sdelay $0x4  }
0x174: {  	vm0 =	vge.s32 v22, v3;
	vm1 =	vlt.s32 v22, v6  }
0x175: {  	vm0 =	vmand vm0, vm1  }
0x176: {  	v22 =	vmpcnt.ones.xlane vm0;
	_ =	sdelay $0x1  }
0x177: {  	(v2sf) =	vpush v22, $0x0;
	_ =	sdelay $0xe  }
0x178: {  	s10 =	spop (v2sf)  }
0x179: {  	p1 =	slt.s32 s10, $0x1  }
.Ltmp25:
0x17a: {  	_ = 	snop;
	(pc) =	sbr.rel @p1 .LBB2_19-.Ltmp25, $1  }
0x17b: {  	_ =	sdelay $0x3  }
.LBB2_18:
0x17c: {  	v22 =	vmctz.xlane vm0;
	_ =	sdelay $0x1  }
0x17d: {  	(v2sf) =	vpush v22, $0x0;
	_ =	sdelay $0xe  }
0x17e: {  	s10 =	spop (v2sf)  }
0x17f: {  	s10 =	sadd.s32 s4, s10  }
0x180: {  	v23 =	vmov s10;
	_ =	sdelay $0x4  }
0x181: {  	v24 =	vld.idx.msk [tilespmem:v23+s22+$0x0], $0xffff;
	_ =	sdelay $0x4  }
0x182: {  	(v2sf) =	vpush v24, $0x0;
	_ =	sdelay $0xe  }
0x183: {  	s12 =	spop (v2sf)  }
0x184: {  	s10 =	ssub.s32 s12, s1  }
0x185: {  	v59 =	vmov s10  }
0x186: {  	v25 =	vshll.u32 v59, $0x3  }
0x187: {  	s16 =	sshra.s32 s6, $0x1F;
	v24 =	vand.u32 $0x7F, v59;
	v25 =	vand.u32 $0xFFFFFC00, v25  }
0x188: {  	s10 =	sshrl.u32 s16, $0x1C;
	v24 =	vor.u32 v24, v25  }
0x189: {  	s10 =	sadd.s32 s10, s6;
	v25 =	vadd.s32 v11, v24  }
0x18a: {  	s10 =	sand.u32 $0xFFFFFFF0, s10  }
0x18b: {  	s10 =	ssub.s32 s6, s10  }
0x18c: {  	v26 =	vmov s10  }
0x18d: {  	v27 =	vshll.u32 v26, $0x7  }
0x18e: {  	v28 =	vor.u32 v1, v27;
	v25 =	vld.idx.msk [tilespmem:v25+s18+$0x0], $0xffff  }
0x18f: {  	v29 =	vadd.s32 v12, v24;
	_ =	sdelay $0x3  }
0x190: {  	v23 =	vld.idx.msk [tilespmem:v23+s23+$0x0], $0xffff;
	[tilespmem:v28+s24+$0x0] =	vst.idx.msk $0xffff, v25  }
0x191: {  	v60 =	vor.u32 v13, v27;
	v25 =	vld.idx.msk [tilespmem:v29+s18+$0x0], $0xffff  }
0x192: {  	v61 =	vadd.s32 v14, v24;
	_ =	sdelay $0x3  }
0x193: {  	[tilespmem:v60+s24+$0x0] =	vst.idx.msk $0xffff, v25  }
0x194: {  	v62 =	vor.u32 v15, v27;
	v25 =	vld.idx.msk [tilespmem:v61+s18+$0x0], $0xffff  }
0x195: {  	v24 =	vadd.s32 v16, v24;
	_ =	sdelay $0x3  }
0x196: {  	[tilespmem:v62+s24+$0x0] =	vst.idx.msk $0xffff, v25  }
0x197: {  	v63 =	vor.u32 v17, v27;
	v24 =	vld.idx.msk [tilespmem:v24+s18+$0x0], $0xffff;
	_ =	sdelay $0x2  }
0x198: {  	s6 =	sadd.s32 $0x1, s6  }
0x199: {  	v22 =	vbroadcast v22, $0x0;
	v23 =	vbroadcast v23, $0x0;
	s28 =	sand.u32 $0xF, s6  }
0x19a: {  	p1 =	sne.s32 s28, $0x0;
	[tilespmem:v63+s24+$0x0] =	vst.idx.msk $0xffff, v24  }
0x19b: {  	vm1 =	vne.s32 v22, v1;
	s10 =	simm.s32 @!p1 $0x10;
	s11 =	simm.s32 @!p1 $0x1F900;
	s12 =	simm.s32 @!p1 $0x1F100;
	[tilespmem:v26+s25+$0x0] =	vst.idx.msk $0x1, v23  }
0x19c: {  	vm0 =	vmand vm0, vm1;
	[hbm4b:s9+s10] =	stream.indirect.scatter @!p1 [tilespmem:s12], [sflag:$0x3], $0x80, s11, s10, $0xb8;
	[tilespmem:$0x1F980] =	vst v63  }
0x19d: {  	v22 =	vmpcnt.ones.xlane vm0;
	s10 =	simm.s32 @!p1 $0x3  }
0x19e: {  	_ =	swait.ge @!p1 [sflag:s10], $0x800  }
0x19f: {  	(v2sf) =	vpush v22, $0x0;
	_ =	sdelay $0xe  }
0x1a0: {  	s29 =	spop (v2sf)  }
0x1a1: {  	p2 =	sgt.s32 s29, $0x0  }
.Ltmp26:
0x1a2: {  	v22 =	vlaneseq.u32 @!p1;
	(pc) =	sbr.rel @p2 .LBB2_18-.Ltmp26, $4  }
0x1a3: {  	v22 =	vmul.u32 @!p1 $0x18, v22  }
0x1a4: {  	[sflag:s10] =	ssyncset.done @!p1 $0x0  }
0x1a5: {  	[sflag:s10] =	ssyncadd.s32 @!p1 $0xFFFFF800;
	v22 =	vadd.s32 @!p1 $0x5E94, v22  }
0x1a6: {  	[tilespmem:$0x1F900] =	vst @!p1 v22  }
.Ltmp27:
0x1a7: {  	_ = 	snop;
	(pc) =	sbr.rel .LBB2_19-.Ltmp27, $1  }
0x1a8: {  	_ =	sdelay $0x3  }
.LBB2_21:
0x1a9: {  	_ =	sfence.sel $0x180000  }
0x1aa: {  	[bflag:$0x0] =	sbarrier.arrive $0xFFFF  }
0x1ab: {  	_ =	strace $0x90000047  }
0x1ac: {  	s0 =	stileid.u32;
	[bflag:$0x2] =	sbarrier.arrive $0xFFFF  }
0x1ad: {  	p0 =	sne.s32 s0, $0x0;
	s0 =	rddreg [dreg:$0x3]  }
0x1ae: {  	s0 =	sadd.s32 @!p0 $0x100000, s0  }
0x1af: {  	[sflag:s0] =	ssyncadd.tile.s32 @!p0 $0x1;
	_ =	shalt  }
.Lfunc_end2:
_tile_overlayer_lowered:
.L_overlay_start_2:
0x1b0: {  	(tag) =	ssettag $0x2  }
0x1b1: {  	s0 =	rddreg [dreg:$0x0];
	s2 =	stileid.u32  }
0x1b2: {  	s1 =	rddreg [dreg:$0x1];
	p0 =	sne.s32 s2, $0x0  }
0x1b3: {  	s3 =	rddreg [dreg:$0x2];
	[bflag:$0x3] =	sbarrier.arrive $0xFFFF;
	s2 =	simm.s32 @!p0 $0x1C04  }
0x1b4: {  	[timem:s3], [sflag:s2] =	dma.local @!p0 [hbm:s0], s1  }
0x1b5: {  	s0 =	simm.s32 @!p0 $0x4  }
0x1b6: {  	_ =	swait.ge @!p0 [sflag:s0], s1  }
0x1b7: {  	s1 =	ssub.s32 @!p0 $0x0, s1;
	[sflag:s0] =	ssyncset.done @!p0 $0x0  }
0x1b8: {  	[sflag:s0] =	ssyncadd.s32 @!p0 s1  }
0x1b9: {  	[bflag:$0x3] =	sbarrier.arrive $0xFFFF  }
0x1ba: {  	_ =	shalt  }

</sc_bundles>
